<compile_context>
chip_gen: v7x
topology: tpu7x:2x2x1
jax: 0.10.2.dev20260603
libtpu: 0.0.44.dev20260713+nightly
codegen_flags: <defaults>
</compile_context>

<pallas_src>
import jax
import jax.numpy as jnp
from jax.experimental import pallas as pl
from jax.experimental.pallas import tpu as pltpu

_IOU_THR = 0.5
_SCORE_THR = 0.05
_MAX_OUT = 300
_N = 5000
_B = 512
_NP = 5120
_NBLK = _NP // _B

_DN = (((1,), (0,)), ((), ()))


def _iou_block(bc_ref, br_ref, rbase, cbase, cw):
    x1p = bc_ref[rbase:rbase + _B, 0:1]
    y1p = bc_ref[rbase:rbase + _B, 1:2]
    x2p = bc_ref[rbase:rbase + _B, 2:3]
    y2p = bc_ref[rbase:rbase + _B, 3:4]
    area_p = (x2p - x1p) * (y2p - y1p)
    x1t = br_ref[0:1, cbase:cbase + cw]
    y1t = br_ref[1:2, cbase:cbase + cw]
    x2t = br_ref[2:3, cbase:cbase + cw]
    y2t = br_ref[3:4, cbase:cbase + cw]
    area_t = (x2t - x1t) * (y2t - y1t)
    w = jnp.clip(jnp.minimum(x2p, x2t) - jnp.maximum(x1p, x1t), 0.0)
    h = jnp.clip(jnp.minimum(y2p, y2t) - jnp.maximum(y1p, y1t), 0.0)
    inter = w * h
    union = area_p + area_t - inter
    return inter / jnp.maximum(union, 1e-8)


def _nms_kernel(bc_ref, br_ref, sr_ref, sc_ref, sco_ref, box_ref, a_ref):
    ri = jax.lax.broadcasted_iota(jnp.int32, (_B, _B), 0)
    ci = jax.lax.broadcasted_iota(jnp.int32, (_B, _B), 1)
    upper = ri < ci

    kb = [(sr_ref[0:1, q * _B:(q + 1) * _B] > _SCORE_THR).astype(jnp.float32)
          for q in range(_NBLK)]

    for p in range(_NBLK):
        base = p * _B
        iou_pp = _iou_block(bc_ref, br_ref, base, base, _B)
        a_ref[...] = ((iou_pp > _IOU_THR) & upper).astype(jnp.float32)

        keep0 = kb[p]

        def cond(carry):
            return carry[1]

        def body(carry):
            k, _ = carry
            cnt = jax.lax.dot_general(
                k, a_ref[...], _DN, preferred_element_type=jnp.float32)
            kn = jnp.where(cnt == 0.0, keep0, 0.0)
            changed = jnp.any(kn != k)
            return kn, changed

        kblk, _ = jax.lax.while_loop(cond, body, (keep0, True))
        kb[p] = kblk

        tail = _NP - base - _B
        if tail > 0:
            iou_pt = _iou_block(bc_ref, br_ref, base, base + _B, tail)
            a_pt = (iou_pt > _IOU_THR).astype(jnp.float32)
            cnt = jax.lax.dot_general(
                kblk, a_pt, _DN, preferred_element_type=jnp.float32)
            for q in range(p + 1, _NBLK):
                sl = cnt[0:1, (q - p - 1) * _B:(q - p) * _B]
                kb[q] = jnp.where(sl == 0.0, kb[q], 0.0)

    tri = (ri <= ci).astype(jnp.float32)
    ranks = []
    offset = jnp.zeros((1, 1), jnp.float32)
    for p in range(_NBLK):
        rblk = jax.lax.dot_general(
            kb[p], tri, _DN, preferred_element_type=jnp.float32) + offset
        offset = offset + jnp.sum(kb[p], keepdims=True)
        ranks.append(rblk)
    rank = jnp.concatenate(ranks, axis=1)
    keep = jnp.concatenate(kb, axis=1)

    kf = (jax.lax.broadcasted_iota(jnp.int32, (_B, 1), 0) + 1).astype(
        jnp.float32)
    sel = ((rank == kf) & (keep > 0.5)).astype(jnp.float32)
    sco_ref[...] = jax.lax.dot_general(
        sel, sc_ref[...], _DN, preferred_element_type=jnp.float32,
        precision=jax.lax.Precision.HIGHEST)
    box_ref[...] = jax.lax.dot_general(
        sel, bc_ref[...], _DN, preferred_element_type=jnp.float32,
        precision=jax.lax.Precision.HIGHEST)


def _run_nms(bc, br, s_row, s_col):
    return pl.pallas_call(
        _nms_kernel,
        out_shape=(jax.ShapeDtypeStruct((_B, 1), jnp.float32),
                   jax.ShapeDtypeStruct((_B, 4), jnp.float32)),
        scratch_shapes=[pltpu.VMEM((_B, _B), jnp.float32)],
    )(bc, br, s_row, s_col)


def kernel(boxes, scores):
    order = jnp.argsort(-scores)
    g = jnp.concatenate([boxes, scores[:, None]], axis=1)[order]
    pad = _NP - _N
    bp = jnp.pad(g[:, :4], ((0, pad), (0, 0)))
    sp = jnp.pad(g[:, 4], ((0, pad),), constant_values=-1.0)
    sco, box = _run_nms(bp, bp.T, sp[None, :], sp[:, None])

    final_scores = sco[:_MAX_OUT, 0]
    final_boxes = box[:_MAX_OUT]
    valid = final_scores > _SCORE_THR
    final_class_idx = jnp.where(valid, 0, -1)
    return final_scores, final_class_idx, final_boxes

# --- scband reference (transcript-rebuilt; emitter-appended) ---
"""Pipeline reference for scband-retina-net-6734508720732 (READ-ONLY COPY).

The authoritative reference and input builder live on the scoring server;
editing this copy changes nothing except your own understanding.
"""

import jax, jax.numpy as jnp
import numpy as np

IOU_THR = 0.5
SCORE_THR = 0.05
MAX_OUT = 300


def _pairwise_iou(b):
    x1, y1, x2, y2 = b[:, 0], b[:, 1], b[:, 2], b[:, 3]
    area = (x2 - x1) * (y2 - y1)
    xx1 = jnp.maximum(x1[:, None], x1[None, :])
    yy1 = jnp.maximum(y1[:, None], y1[None, :])
    xx2 = jnp.minimum(x2[:, None], x2[None, :])
    yy2 = jnp.minimum(y2[:, None], y2[None, :])
    w = jnp.clip(xx2 - xx1, 0.0)
    h = jnp.clip(yy2 - yy1, 0.0)
    inter = w * h
    union = area[:, None] + area[None, :] - inter
    return inter / jnp.maximum(union, 1e-8)


def _nms_keep(b_sorted, s_sorted):
    # hard (non-differentiable) suppression pass, greedy over score-sorted boxes
    N = b_sorted.shape[0]
    iou = _pairwise_iou(b_sorted)
    idxs = jnp.arange(N)
    keep0 = s_sorted > SCORE_THR

    def body(i, keep):
        sup = (iou[i] > IOU_THR) & (idxs > i) & keep[i]
        return keep & (~sup)

    return jax.lax.fori_loop(0, N, body, keep0)


def setup_inputs(seed: int = 0):
    key = jax.random.key(seed)
    k1, k2 = jax.random.split(key)
    raw = jax.random.uniform(k1, (5000, 4), dtype=jnp.float32)
    xy = raw[:, :2] * 600.0
    wh = raw[:, 2:] * 60.0 + 4.0
    boxes = jnp.concatenate([xy, xy + wh], axis=1)  # x1y1x2y2
    scores = jax.random.uniform(k2, (5000,), dtype=jnp.float32)
    return {"boxes": boxes, "scores": scores}


def reference(boxes, scores):
    # Faithful translation of the RetinaNet post-processing NMS loop body:
    # threshold scores at 0.05, greedy NMS at IoU 0.5, gather kept scores,
    # class indices, and box coordinates (single-class slice).
    order = jnp.argsort(-scores)
    b = boxes[order]
    s = scores[order]
    keep = _nms_keep(jax.lax.stop_gradient(b), jax.lax.stop_gradient(s))
    masked = jnp.where(keep, s, -1.0)
    topk_s, topk_i = jax.lax.top_k(masked, MAX_OUT)
    valid = topk_s > SCORE_THR
    final_scores = jnp.where(valid, topk_s, 0.0)
    final_boxes = b[topk_i] * valid[:, None].astype(b.dtype)
    final_class_idx = jnp.where(valid, 0, -1)  # class index (single-class slice)
    return final_scores, final_class_idx, final_boxes

if __name__ == "__main__":
    import jax
    _d = setup_inputs()
    print(jax.jit(kernel)(*tuple(_d.values())))

</pallas_src>

<mosaic_0001>
module attributes {stable_mosaic.version = 14 : i64} {
  func.func @_nms_kernel(%arg0: memref<5120x4xf32, #tpu.memory_space<vmem>>, %arg1: memref<4x5120xf32, #tpu.memory_space<vmem>>, %arg2: memref<1x5120xf32, #tpu.memory_space<vmem>>, %arg3: memref<5120x1xf32, #tpu.memory_space<vmem>>, %arg4: memref<512x1xf32, #tpu.memory_space<vmem>>, %arg5: memref<512x4xf32, #tpu.memory_space<vmem>>, %arg6: memref<512x512xf32, #tpu.memory_space<vmem>>) attributes {dimension_semantics = [], scalar_prefetch = 0 : i64, scratch_operands = 1 : i64, tpu.core_type = #tpu.core_type<tc>} {
    %iota3A = tpu.iota {dimensions = array<i32: 0>} : vector<512x512xi32>
    %iota3A_0 = tpu.iota {dimensions = array<i32: 1>} : vector<512x512xi32>
    %lt3A = arith.cmpi slt, %iota3A, %iota3A_0 : vector<512x512xi32>
    %get3A = arith.constant 0 : index
    %get3A_1 = arith.constant 0 : index
    %get3A_2 = vector.load %arg2[%get3A, %get3A_1] : memref<1x5120xf32, #tpu.memory_space<vmem>>, vector<1x512xf32>
    %gt3A = arith.constant 5.000000e-02 : f32
    %gt3A_3 = vector.broadcast %gt3A : f32 to vector<1x512xf32>
    %gt3A_4 = arith.cmpf ogt, %get3A_2, %gt3A_3 : vector<1x512xf32>
    %convert_element_type3A = arith.extui %gt3A_4 : vector<1x512xi1> to vector<1x512xi32>
    %convert_element_type3A_5 = arith.sitofp %convert_element_type3A : vector<1x512xi32> to vector<1x512xf32>
    %get3A_6 = arith.constant 0 : index
    %get3A_7 = arith.constant 512 : index
    %get3A_8 = vector.load %arg2[%get3A_6, %get3A_7] : memref<1x5120xf32, #tpu.memory_space<vmem>>, vector<1x512xf32>
    %gt3A_9 = arith.constant 5.000000e-02 : f32
    %gt3A_10 = vector.broadcast %gt3A_9 : f32 to vector<1x512xf32>
    %gt3A_11 = arith.cmpf ogt, %get3A_8, %gt3A_10 : vector<1x512xf32>
    %convert_element_type3A_12 = arith.extui %gt3A_11 : vector<1x512xi1> to vector<1x512xi32>
    %convert_element_type3A_13 = arith.sitofp %convert_element_type3A_12 : vector<1x512xi32> to vector<1x512xf32>
    %get3A_14 = arith.constant 0 : index
    %get3A_15 = arith.constant 1024 : index
    %get3A_16 = vector.load %arg2[%get3A_14, %get3A_15] : memref<1x5120xf32, #tpu.memory_space<vmem>>, vector<1x512xf32>
    %gt3A_17 = arith.constant 5.000000e-02 : f32
    %gt3A_18 = vector.broadcast %gt3A_17 : f32 to vector<1x512xf32>
    %gt3A_19 = arith.cmpf ogt, %get3A_16, %gt3A_18 : vector<1x512xf32>
    %convert_element_type3A_20 = arith.extui %gt3A_19 : vector<1x512xi1> to vector<1x512xi32>
    %convert_element_type3A_21 = arith.sitofp %convert_element_type3A_20 : vector<1x512xi32> to vector<1x512xf32>
    %get3A_22 = arith.constant 0 : index
    %get3A_23 = arith.constant 1536 : index
    %get3A_24 = vector.load %arg2[%get3A_22, %get3A_23] : memref<1x5120xf32, #tpu.memory_space<vmem>>, vector<1x512xf32>
    %gt3A_25 = arith.constant 5.000000e-02 : f32
    %gt3A_26 = vector.broadcast %gt3A_25 : f32 to vector<1x512xf32>
    %gt3A_27 = arith.cmpf ogt, %get3A_24, %gt3A_26 : vector<1x512xf32>
    %convert_element_type3A_28 = arith.extui %gt3A_27 : vector<1x512xi1> to vector<1x512xi32>
    %convert_element_type3A_29 = arith.sitofp %convert_element_type3A_28 : vector<1x512xi32> to vector<1x512xf32>
    %get3A_30 = arith.constant 0 : index
    %get3A_31 = arith.constant 2048 : index
    %get3A_32 = vector.load %arg2[%get3A_30, %get3A_31] : memref<1x5120xf32, #tpu.memory_space<vmem>>, vector<1x512xf32>
    %gt3A_33 = arith.constant 5.000000e-02 : f32
    %gt3A_34 = vector.broadcast %gt3A_33 : f32 to vector<1x512xf32>
    %gt3A_35 = arith.cmpf ogt, %get3A_32, %gt3A_34 : vector<1x512xf32>
    %convert_element_type3A_36 = arith.extui %gt3A_35 : vector<1x512xi1> to vector<1x512xi32>
    %convert_element_type3A_37 = arith.sitofp %convert_element_type3A_36 : vector<1x512xi32> to vector<1x512xf32>
    %get3A_38 = arith.constant 0 : index
    %get3A_39 = arith.constant 2560 : index
    %get3A_40 = vector.load %arg2[%get3A_38, %get3A_39] : memref<1x5120xf32, #tpu.memory_space<vmem>>, vector<1x512xf32>
    %gt3A_41 = arith.constant 5.000000e-02 : f32
    %gt3A_42 = vector.broadcast %gt3A_41 : f32 to vector<1x512xf32>
    %gt3A_43 = arith.cmpf ogt, %get3A_40, %gt3A_42 : vector<1x512xf32>
    %convert_element_type3A_44 = arith.extui %gt3A_43 : vector<1x512xi1> to vector<1x512xi32>
    %convert_element_type3A_45 = arith.sitofp %convert_element_type3A_44 : vector<1x512xi32> to vector<1x512xf32>
    %get3A_46 = arith.constant 0 : index
    %get3A_47 = arith.constant 3072 : index
    %get3A_48 = vector.load %arg2[%get3A_46, %get3A_47] : memref<1x5120xf32, #tpu.memory_space<vmem>>, vector<1x512xf32>
    %gt3A_49 = arith.constant 5.000000e-02 : f32
    %gt3A_50 = vector.broadcast %gt3A_49 : f32 to vector<1x512xf32>
    %gt3A_51 = arith.cmpf ogt, %get3A_48, %gt3A_50 : vector<1x512xf32>
    %convert_element_type3A_52 = arith.extui %gt3A_51 : vector<1x512xi1> to vector<1x512xi32>
    %convert_element_type3A_53 = arith.sitofp %convert_element_type3A_52 : vector<1x512xi32> to vector<1x512xf32>
    %get3A_54 = arith.constant 0 : index
    %get3A_55 = arith.constant 3584 : index
    %get3A_56 = vector.load %arg2[%get3A_54, %get3A_55] : memref<1x5120xf32, #tpu.memory_space<vmem>>, vector<1x512xf32>
    %gt3A_57 = arith.constant 5.000000e-02 : f32
    %gt3A_58 = vector.broadcast %gt3A_57 : f32 to vector<1x512xf32>
    %gt3A_59 = arith.cmpf ogt, %get3A_56, %gt3A_58 : vector<1x512xf32>
    %convert_element_type3A_60 = arith.extui %gt3A_59 : vector<1x512xi1> to vector<1x512xi32>
    %convert_element_type3A_61 = arith.sitofp %convert_element_type3A_60 : vector<1x512xi32> to vector<1x512xf32>
    %get3A_62 = arith.constant 0 : index
    %get3A_63 = arith.constant 4096 : index
    %get3A_64 = vector.load %arg2[%get3A_62, %get3A_63] : memref<1x5120xf32, #tpu.memory_space<vmem>>, vector<1x512xf32>
    %gt3A_65 = arith.constant 5.000000e-02 : f32
    %gt3A_66 = vector.broadcast %gt3A_65 : f32 to vector<1x512xf32>
    %gt3A_67 = arith.cmpf ogt, %get3A_64, %gt3A_66 : vector<1x512xf32>
    %convert_element_type3A_68 = arith.extui %gt3A_67 : vector<1x512xi1> to vector<1x512xi32>
    %convert_element_type3A_69 = arith.sitofp %convert_element_type3A_68 : vector<1x512xi32> to vector<1x512xf32>
    %get3A_70 = arith.constant 0 : index
    %get3A_71 = arith.constant 4608 : index
    %get3A_72 = vector.load %arg2[%get3A_70, %get3A_71] : memref<1x5120xf32, #tpu.memory_space<vmem>>, vector<1x512xf32>
    %gt3A_73 = arith.constant 5.000000e-02 : f32
    %gt3A_74 = vector.broadcast %gt3A_73 : f32 to vector<1x512xf32>
    %gt3A_75 = arith.cmpf ogt, %get3A_72, %gt3A_74 : vector<1x512xf32>
    %convert_element_type3A_76 = arith.extui %gt3A_75 : vector<1x512xi1> to vector<1x512xi32>
    %convert_element_type3A_77 = arith.sitofp %convert_element_type3A_76 : vector<1x512xi32> to vector<1x512xf32>
    %get3A_78 = arith.constant 0 : index
    %get3A_79 = arith.constant 0 : index
    %get3A_80 = vector.load %arg0[%get3A_78, %get3A_79] : memref<5120x4xf32, #tpu.memory_space<vmem>>, vector<512x1xf32>
    %get3A_81 = arith.constant 0 : index
    %get3A_82 = arith.constant 1 : index
    %get3A_83 = vector.load %arg0[%get3A_81, %get3A_82] : memref<5120x4xf32, #tpu.memory_space<vmem>>, vector<512x1xf32>
    %get3A_84 = arith.constant 0 : index
    %get3A_85 = arith.constant 2 : index
    %get3A_86 = vector.load %arg0[%get3A_84, %get3A_85] : memref<5120x4xf32, #tpu.memory_space<vmem>>, vector<512x1xf32>
    %get3A_87 = arith.constant 0 : index
    %get3A_88 = arith.constant 3 : index
    %get3A_89 = vector.load %arg0[%get3A_87, %get3A_88] : memref<5120x4xf32, #tpu.memory_space<vmem>>, vector<512x1xf32>
    %sub3A = arith.subf %get3A_86, %get3A_80 : vector<512x1xf32>
    %sub3A_90 = arith.subf %get3A_89, %get3A_83 : vector<512x1xf32>
    %mul3A = arith.mulf %sub3A, %sub3A_90 : vector<512x1xf32>
    %get3A_91 = arith.constant 0 : index
    %get3A_92 = arith.constant 0 : index
    %get3A_93 = vector.load %arg1[%get3A_91, %get3A_92] : memref<4x5120xf32, #tpu.memory_space<vmem>>, vector<1x512xf32>
    %get3A_94 = arith.constant 1 : index
    %get3A_95 = arith.constant 0 : index
    %get3A_96 = vector.load %arg1[%get3A_94, %get3A_95] : memref<4x5120xf32, #tpu.memory_space<vmem>>, vector<1x512xf32>
    %get3A_97 = arith.constant 2 : index
    %get3A_98 = arith.constant 0 : index
    %get3A_99 = vector.load %arg1[%get3A_97, %get3A_98] : memref<4x5120xf32, #tpu.memory_space<vmem>>, vector<1x512xf32>
    %get3A_100 = arith.constant 3 : index
    %get3A_101 = arith.constant 0 : index
    %get3A_102 = vector.load %arg1[%get3A_100, %get3A_101] : memref<4x5120xf32, #tpu.memory_space<vmem>>, vector<1x512xf32>
    %sub3A_103 = arith.subf %get3A_99, %get3A_93 : vector<1x512xf32>
    %sub3A_104 = arith.subf %get3A_102, %get3A_96 : vector<1x512xf32>
    %mul3A_105 = arith.mulf %sub3A_103, %sub3A_104 : vector<1x512xf32>
    %min3A = vector.broadcast %get3A_86 : vector<512x1xf32> to vector<512x512xf32>
    %min3A_106 = vector.broadcast %get3A_99 : vector<1x512xf32> to vector<512x512xf32>
    %min3A_107 = arith.minimumf %min3A, %min3A_106 : vector<512x512xf32>
    %max3A = vector.broadcast %get3A_80 : vector<512x1xf32> to vector<512x512xf32>
    %max3A_108 = vector.broadcast %get3A_93 : vector<1x512xf32> to vector<512x512xf32>
    %max3A_109 = arith.maximumf %max3A, %max3A_108 : vector<512x512xf32>
    %sub3A_110 = arith.subf %min3A_107, %max3A_109 : vector<512x512xf32>
    %jit3A = arith.constant 0.000000e+00 : f32
    %max3A_111 = vector.broadcast %jit3A : f32 to vector<512x512xf32>
    %max3A_112 = arith.maximumf %max3A_111, %sub3A_110 : vector<512x512xf32>
    %min3A_113 = vector.broadcast %get3A_89 : vector<512x1xf32> to vector<512x512xf32>
    %min3A_114 = vector.broadcast %get3A_102 : vector<1x512xf32> to vector<512x512xf32>
    %min3A_115 = arith.minimumf %min3A_113, %min3A_114 : vector<512x512xf32>
    %max3A_116 = vector.broadcast %get3A_83 : vector<512x1xf32> to vector<512x512xf32>
    %max3A_117 = vector.broadcast %get3A_96 : vector<1x512xf32> to vector<512x512xf32>
    %max3A_118 = arith.maximumf %max3A_116, %max3A_117 : vector<512x512xf32>
    %sub3A_119 = arith.subf %min3A_115, %max3A_118 : vector<512x512xf32>
    %jit3A_120 = arith.constant 0.000000e+00 : f32
    %max3A_121 = vector.broadcast %jit3A_120 : f32 to vector<512x512xf32>
    %max3A_122 = arith.maximumf %max3A_121, %sub3A_119 : vector<512x512xf32>
    %mul3A_123 = arith.mulf %max3A_112, %max3A_122 : vector<512x512xf32>
    %add3A = vector.broadcast %mul3A : vector<512x1xf32> to vector<512x512xf32>
    %add3A_124 = vector.broadcast %mul3A_105 : vector<1x512xf32> to vector<512x512xf32>
    %add3A_125 = arith.addf %add3A, %add3A_124 : vector<512x512xf32>
    %sub3A_126 = arith.subf %add3A_125, %mul3A_123 : vector<512x512xf32>
    %max3A_127 = arith.constant 9.99999993E-9 : f32
    %max3A_128 = vector.broadcast %max3A_127 : f32 to vector<512x512xf32>
    %max3A_129 = arith.maximumf %sub3A_126, %max3A_128 : vector<512x512xf32>
    %div3A = arith.divf %mul3A_123, %max3A_129 : vector<512x512xf32>
    %gt3A_130 = arith.constant 5.000000e-01 : f32
    %gt3A_131 = vector.broadcast %gt3A_130 : f32 to vector<512x512xf32>
    %gt3A_132 = arith.cmpf ogt, %div3A, %gt3A_131 : vector<512x512xf32>
    %and3A = arith.andi %gt3A_132, %lt3A : vector<512x512xi1>
    %convert_element_type3A_133 = arith.extui %and3A : vector<512x512xi1> to vector<512x512xi32>
    %convert_element_type3A_134 = arith.sitofp %convert_element_type3A_133 : vector<512x512xi32> to vector<512x512xf32>
    %swap3A = arith.constant 0 : index
    %swap3A_135 = arith.constant 0 : index
    %swap3A_136 = vector.load %arg6[%swap3A, %swap3A_135] : memref<512x512xf32, #tpu.memory_space<vmem>>, vector<512x512xf32>
    tpu.vector_store %arg6[%swap3A, %swap3A_135], %convert_element_type3A_134 {strides = array<i32>} : memref<512x512xf32, #tpu.memory_space<vmem>>, vector<512x512xf32>,
    %while3A = arith.constant true
    %while3A_137:2 = scf.while (%while3A_1809 = %convert_element_type3A_5, %while3A_1810 = %while3A) : (vector<1x512xf32>, i1) -> (vector<1x512xf32>, i1) {
      scf.condition(%while3A_1810) %while3A_1809, %while3A_1810 : vector<1x512xf32>, i1
    } do {
    ^bb0(%while3A_1809: vector<1x512xf32>, %while3A_1810: i1):
      %get3A_1811 = arith.constant 0 : index
      %get3A_1812 = arith.constant 0 : index
      %get3A_1813 = vector.load %arg6[%get3A_1811, %get3A_1812] : memref<512x512xf32, #tpu.memory_space<vmem>>, vector<512x512xf32>
      %dot_general3A_1814 = arith.constant dense<0.000000e+00> : vector<1x512xf32>
      %dot_general3A_1815 = tpu.matmul %while3A_1809, %get3A_1813, %dot_general3A_1814 {dimension_numbers = #tpu.dot_dimension_numbers<[1], [0], [0], [1], [0, 0, 1, 1], [], []>, transpose_lhs_hint = false} : vector<1x512xf32>, vector<512x512xf32>, vector<1x512xf32> -> vector<1x512xf32>
      %eq3A_1816 = arith.constant 0.000000e+00 : f32
      %eq3A_1817 = vector.broadcast %eq3A_1816 : f32 to vector<1x512xf32>
      %eq3A_1818 = arith.cmpf oeq, %dot_general3A_1815, %eq3A_1817 : vector<1x512xf32>
      %jit3A_1819 = arith.constant 0.000000e+00 : f32
      %broadcast_in_dim3A_1820 = vector.broadcast %jit3A_1819 : f32 to vector<1x512xf32>
      %select_n3A_1821 = arith.select %eq3A_1818, %convert_element_type3A_5, %broadcast_in_dim3A_1820 : vector<1x512xi1>, vector<1x512xf32>
      %ne3A = arith.cmpf one, %select_n3A_1821, %while3A_1809 : vector<1x512xf32>
      %reduce_or3A = arith.constant 1.000000e+00 : f32
      %reduce_or3A_1822 = arith.constant 0.000000e+00 : f32
      %reduce_or3A_1823 = vector.broadcast %reduce_or3A : f32 to vector<1x512xf32>
      %reduce_or3A_1824 = vector.broadcast %reduce_or3A_1822 : f32 to vector<1x512xf32>
      %reduce_or3A_1825 = arith.select %ne3A, %reduce_or3A_1823, %reduce_or3A_1824 : vector<1x512xi1>, vector<1x512xf32>
      %reduce_or3A_1826 = vector.shape_cast %reduce_or3A_1825 : vector<1x512xf32> to vector<1x1x512xf32>
      %reduce_or3A_1827 = arith.constant dense<0xFF800000> : vector<1xf32>
      %reduce_or3A_1828 = vector.multi_reduction <maximumf>, %reduce_or3A_1826, %reduce_or3A_1827 [1, 2] : vector<1x1x512xf32> to vector<1xf32>
      %reduce_or3A_1829 = vector.shape_cast %reduce_or3A_1828 : vector<1xf32> to vector<1x1x1xf32>
      %reduce_or3A_1830 = vector.extract %reduce_or3A_1829[0, 0, 0] : f32 from vector<1x1x1xf32>
      %reduce_or3A_1831 = arith.constant 0.000000e+00 : f32
      %reduce_or3A_1832 = arith.cmpf ogt, %reduce_or3A_1830, %reduce_or3A_1831 : f32
      scf.yield %select_n3A_1821, %reduce_or3A_1832 : vector<1x512xf32>, i1
    }
    %get3A_138 = arith.constant 0 : index
    %get3A_139 = arith.constant 0 : index
    %get3A_140 = vector.load %arg0[%get3A_138, %get3A_139] : memref<5120x4xf32, #tpu.memory_space<vmem>>, vector<512x1xf32>
    %get3A_141 = arith.constant 0 : index
    %get3A_142 = arith.constant 1 : index
    %get3A_143 = vector.load %arg0[%get3A_141, %get3A_142] : memref<5120x4xf32, #tpu.memory_space<vmem>>, vector<512x1xf32>
    %get3A_144 = arith.constant 0 : index
    %get3A_145 = arith.constant 2 : index
    %get3A_146 = vector.load %arg0[%get3A_144, %get3A_145] : memref<5120x4xf32, #tpu.memory_space<vmem>>, vector<512x1xf32>
    %get3A_147 = arith.constant 0 : index
    %get3A_148 = arith.constant 3 : index
    %get3A_149 = vector.load %arg0[%get3A_147, %get3A_148] : memref<5120x4xf32, #tpu.memory_space<vmem>>, vector<512x1xf32>
    %sub3A_150 = arith.subf %get3A_146, %get3A_140 : vector<512x1xf32>
    %sub3A_151 = arith.subf %get3A_149, %get3A_143 : vector<512x1xf32>
    %mul3A_152 = arith.mulf %sub3A_150, %sub3A_151 : vector<512x1xf32>
    %get3A_153 = arith.constant 0 : index
    %get3A_154 = arith.constant 512 : index
    %get3A_155 = vector.load %arg1[%get3A_153, %get3A_154] : memref<4x5120xf32, #tpu.memory_space<vmem>>, vector<1x4608xf32>
    %get3A_156 = arith.constant 1 : index
    %get3A_157 = arith.constant 512 : index
    %get3A_158 = vector.load %arg1[%get3A_156, %get3A_157] : memref<4x5120xf32, #tpu.memory_space<vmem>>, vector<1x4608xf32>
    %get3A_159 = arith.constant 2 : index
    %get3A_160 = arith.constant 512 : index
    %get3A_161 = vector.load %arg1[%get3A_159, %get3A_160] : memref<4x5120xf32, #tpu.memory_space<vmem>>, vector<1x4608xf32>
    %get3A_162 = arith.constant 3 : index
    %get3A_163 = arith.constant 512 : index
    %get3A_164 = vector.load %arg1[%get3A_162, %get3A_163] : memref<4x5120xf32, #tpu.memory_space<vmem>>, vector<1x4608xf32>
    %sub3A_165 = arith.subf %get3A_161, %get3A_155 : vector<1x4608xf32>
    %sub3A_166 = arith.subf %get3A_164, %get3A_158 : vector<1x4608xf32>
    %mul3A_167 = arith.mulf %sub3A_165, %sub3A_166 : vector<1x4608xf32>
    %min3A_168 = vector.broadcast %get3A_146 : vector<512x1xf32> to vector<512x4608xf32>
    %min3A_169 = vector.broadcast %get3A_161 : vector<1x4608xf32> to vector<512x4608xf32>
    %min3A_170 = arith.minimumf %min3A_168, %min3A_169 : vector<512x4608xf32>
    %max3A_171 = vector.broadcast %get3A_140 : vector<512x1xf32> to vector<512x4608xf32>
    %max3A_172 = vector.broadcast %get3A_155 : vector<1x4608xf32> to vector<512x4608xf32>
    %max3A_173 = arith.maximumf %max3A_171, %max3A_172 : vector<512x4608xf32>
    %sub3A_174 = arith.subf %min3A_170, %max3A_173 : vector<512x4608xf32>
    %jit3A_175 = arith.constant 0.000000e+00 : f32
    %max3A_176 = vector.broadcast %jit3A_175 : f32 to vector<512x4608xf32>
    %max3A_177 = arith.maximumf %max3A_176, %sub3A_174 : vector<512x4608xf32>
    %min3A_178 = vector.broadcast %get3A_149 : vector<512x1xf32> to vector<512x4608xf32>
    %min3A_179 = vector.broadcast %get3A_164 : vector<1x4608xf32> to vector<512x4608xf32>
    %min3A_180 = arith.minimumf %min3A_178, %min3A_179 : vector<512x4608xf32>
    %max3A_181 = vector.broadcast %get3A_143 : vector<512x1xf32> to vector<512x4608xf32>
    %max3A_182 = vector.broadcast %get3A_158 : vector<1x4608xf32> to vector<512x4608xf32>
    %max3A_183 = arith.maximumf %max3A_181, %max3A_182 : vector<512x4608xf32>
    %sub3A_184 = arith.subf %min3A_180, %max3A_183 : vector<512x4608xf32>
    %jit3A_185 = arith.constant 0.000000e+00 : f32
    %max3A_186 = vector.broadcast %jit3A_185 : f32 to vector<512x4608xf32>
    %max3A_187 = arith.maximumf %max3A_186, %sub3A_184 : vector<512x4608xf32>
    %mul3A_188 = arith.mulf %max3A_177, %max3A_187 : vector<512x4608xf32>
    %add3A_189 = vector.broadcast %mul3A_152 : vector<512x1xf32> to vector<512x4608xf32>
    %add3A_190 = vector.broadcast %mul3A_167 : vector<1x4608xf32> to vector<512x4608xf32>
    %add3A_191 = arith.addf %add3A_189, %add3A_190 : vector<512x4608xf32>
    %sub3A_192 = arith.subf %add3A_191, %mul3A_188 : vector<512x4608xf32>
    %max3A_193 = arith.constant 9.99999993E-9 : f32
    %max3A_194 = vector.broadcast %max3A_193 : f32 to vector<512x4608xf32>
    %max3A_195 = arith.maximumf %sub3A_192, %max3A_194 : vector<512x4608xf32>
    %div3A_196 = arith.divf %mul3A_188, %max3A_195 : vector<512x4608xf32>
    %gt3A_197 = arith.constant 5.000000e-01 : f32
    %gt3A_198 = vector.broadcast %gt3A_197 : f32 to vector<512x4608xf32>
    %gt3A_199 = arith.cmpf ogt, %div3A_196, %gt3A_198 : vector<512x4608xf32>
    %convert_element_type3A_200 = arith.extui %gt3A_199 : vector<512x4608xi1> to vector<512x4608xi32>
    %convert_element_type3A_201 = arith.sitofp %convert_element_type3A_200 : vector<512x4608xi32> to vector<512x4608xf32>
    %dot_general3A = arith.constant dense<0.000000e+00> : vector<1x4608xf32>
    %dot_general3A_202 = tpu.matmul %while3A_137#0, %convert_element_type3A_201, %dot_general3A {dimension_numbers = #tpu.dot_dimension_numbers<[1], [0], [0], [1], [0, 0, 1, 1], [], []>, transpose_lhs_hint = false} : vector<1x512xf32>, vector<512x4608xf32>, vector<1x4608xf32> -> vector<1x4608xf32>
    %slice3A = vector.extract_strided_slice %dot_general3A_202 {offsets = [0, 0], sizes = [1, 512], strides = [1, 1]} : vector<1x4608xf32> to vector<1x512xf32>
    %eq3A = arith.constant 0.000000e+00 : f32
    %eq3A_203 = vector.broadcast %eq3A : f32 to vector<1x512xf32>
    %eq3A_204 = arith.cmpf oeq, %slice3A, %eq3A_203 : vector<1x512xf32>
    %jit3A_205 = arith.constant 0.000000e+00 : f32
    %broadcast_in_dim3A = vector.broadcast %jit3A_205 : f32 to vector<1x512xf32>
    %select_n3A = arith.select %eq3A_204, %convert_element_type3A_13, %broadcast_in_dim3A : vector<1x512xi1>, vector<1x512xf32>
    %slice3A_206 = vector.extract_strided_slice %dot_general3A_202 {offsets = [0, 512], sizes = [1, 512], strides = [1, 1]} : vector<1x4608xf32> to vector<1x512xf32>
    %eq3A_207 = arith.constant 0.000000e+00 : f32
    %eq3A_208 = vector.broadcast %eq3A_207 : f32 to vector<1x512xf32>
    %eq3A_209 = arith.cmpf oeq, %slice3A_206, %eq3A_208 : vector<1x512xf32>
    %jit3A_210 = arith.constant 0.000000e+00 : f32
    %broadcast_in_dim3A_211 = vector.broadcast %jit3A_210 : f32 to vector<1x512xf32>
    %select_n3A_212 = arith.select %eq3A_209, %convert_element_type3A_21, %broadcast_in_dim3A_211 : vector<1x512xi1>, vector<1x512xf32>
    %slice3A_213 = vector.extract_strided_slice %dot_general3A_202 {offsets = [0, 1024], sizes = [1, 512], strides = [1, 1]} : vector<1x4608xf32> to vector<1x512xf32>
    %eq3A_214 = arith.constant 0.000000e+00 : f32
    %eq3A_215 = vector.broadcast %eq3A_214 : f32 to vector<1x512xf32>
    %eq3A_216 = arith.cmpf oeq, %slice3A_213, %eq3A_215 : vector<1x512xf32>
    %jit3A_217 = arith.constant 0.000000e+00 : f32
    %broadcast_in_dim3A_218 = vector.broadcast %jit3A_217 : f32 to vector<1x512xf32>
    %select_n3A_219 = arith.select %eq3A_216, %convert_element_type3A_29, %broadcast_in_dim3A_218 : vector<1x512xi1>, vector<1x512xf32>
    %slice3A_220 = vector.extract_strided_slice %dot_general3A_202 {offsets = [0, 1536], sizes = [1, 512], strides = [1, 1]} : vector<1x4608xf32> to vector<1x512xf32>
    %eq3A_221 = arith.constant 0.000000e+00 : f32
    %eq3A_222 = vector.broadcast %eq3A_221 : f32 to vector<1x512xf32>
    %eq3A_223 = arith.cmpf oeq, %slice3A_220, %eq3A_222 : vector<1x512xf32>
    %jit3A_224 = arith.constant 0.000000e+00 : f32
    %broadcast_in_dim3A_225 = vector.broadcast %jit3A_224 : f32 to vector<1x512xf32>
    %select_n3A_226 = arith.select %eq3A_223, %convert_element_type3A_37, %broadcast_in_dim3A_225 : vector<1x512xi1>, vector<1x512xf32>
    %slice3A_227 = vector.extract_strided_slice %dot_general3A_202 {offsets = [0, 2048], sizes = [1, 512], strides = [1, 1]} : vector<1x4608xf32> to vector<1x512xf32>
    %eq3A_228 = arith.constant 0.000000e+00 : f32
    %eq3A_229 = vector.broadcast %eq3A_228 : f32 to vector<1x512xf32>
    %eq3A_230 = arith.cmpf oeq, %slice3A_227, %eq3A_229 : vector<1x512xf32>
    %jit3A_231 = arith.constant 0.000000e+00 : f32
    %broadcast_in_dim3A_232 = vector.broadcast %jit3A_231 : f32 to vector<1x512xf32>
    %select_n3A_233 = arith.select %eq3A_230, %convert_element_type3A_45, %broadcast_in_dim3A_232 : vector<1x512xi1>, vector<1x512xf32>
    %slice3A_234 = vector.extract_strided_slice %dot_general3A_202 {offsets = [0, 2560], sizes = [1, 512], strides = [1, 1]} : vector<1x4608xf32> to vector<1x512xf32>
    %eq3A_235 = arith.constant 0.000000e+00 : f32
    %eq3A_236 = vector.broadcast %eq3A_235 : f32 to vector<1x512xf32>
    %eq3A_237 = arith.cmpf oeq, %slice3A_234, %eq3A_236 : vector<1x512xf32>
    %jit3A_238 = arith.constant 0.000000e+00 : f32
    %broadcast_in_dim3A_239 = vector.broadcast %jit3A_238 : f32 to vector<1x512xf32>
    %select_n3A_240 = arith.select %eq3A_237, %convert_element_type3A_53, %broadcast_in_dim3A_239 : vector<1x512xi1>, vector<1x512xf32>
    %slice3A_241 = vector.extract_strided_slice %dot_general3A_202 {offsets = [0, 3072], sizes = [1, 512], strides = [1, 1]} : vector<1x4608xf32> to vector<1x512xf32>
    %eq3A_242 = arith.constant 0.000000e+00 : f32
    %eq3A_243 = vector.broadcast %eq3A_242 : f32 to vector<1x512xf32>
    %eq3A_244 = arith.cmpf oeq, %slice3A_241, %eq3A_243 : vector<1x512xf32>
    %jit3A_245 = arith.constant 0.000000e+00 : f32
    %broadcast_in_dim3A_246 = vector.broadcast %jit3A_245 : f32 to vector<1x512xf32>
    %select_n3A_247 = arith.select %eq3A_244, %convert_element_type3A_61, %broadcast_in_dim3A_246 : vector<1x512xi1>, vector<1x512xf32>
    %slice3A_248 = vector.extract_strided_slice %dot_general3A_202 {offsets = [0, 3584], sizes = [1, 512], strides = [1, 1]} : vector<1x4608xf32> to vector<1x512xf32>
    %eq3A_249 = arith.constant 0.000000e+00 : f32
    %eq3A_250 = vector.broadcast %eq3A_249 : f32 to vector<1x512xf32>
    %eq3A_251 = arith.cmpf oeq, %slice3A_248, %eq3A_250 : vector<1x512xf32>
    %jit3A_252 = arith.constant 0.000000e+00 : f32
    %broadcast_in_dim3A_253 = vector.broadcast %jit3A_252 : f32 to vector<1x512xf32>
    %select_n3A_254 = arith.select %eq3A_251, %convert_element_type3A_69, %broadcast_in_dim3A_253 : vector<1x512xi1>, vector<1x512xf32>
    %slice3A_255 = vector.extract_strided_slice %dot_general3A_202 {offsets = [0, 4096], sizes = [1, 512], strides = [1, 1]} : vector<1x4608xf32> to vector<1x512xf32>
    %eq3A_256 = arith.constant 0.000000e+00 : f32
    %eq3A_257 = vector.broadcast %eq3A_256 : f32 to vector<1x512xf32>
    %eq3A_258 = arith.cmpf oeq, %slice3A_255, %eq3A_257 : vector<1x512xf32>
    %jit3A_259 = arith.constant 0.000000e+00 : f32
    %broadcast_in_dim3A_260 = vector.broadcast %jit3A_259 : f32 to vector<1x512xf32>
    %select_n3A_261 = arith.select %eq3A_258, %convert_element_type3A_77, %broadcast_in_dim3A_260 : vector<1x512xi1>, vector<1x512xf32>
    %get3A_262 = arith.constant 512 : index
    %get3A_263 = arith.constant 0 : index
    %get3A_264 = vector.load %arg0[%get3A_262, %get3A_263] : memref<5120x4xf32, #tpu.memory_space<vmem>>, vector<512x1xf32>
    %get3A_265 = arith.constant 512 : index
    %get3A_266 = arith.constant 1 : index
    %get3A_267 = vector.load %arg0[%get3A_265, %get3A_266] : memref<5120x4xf32, #tpu.memory_space<vmem>>, vector<512x1xf32>
    %get3A_268 = arith.constant 512 : index
    %get3A_269 = arith.constant 2 : index
    %get3A_270 = vector.load %arg0[%get3A_268, %get3A_269] : memref<5120x4xf32, #tpu.memory_space<vmem>>, vector<512x1xf32>
    %get3A_271 = arith.constant 512 : index
    %get3A_272 = arith.constant 3 : index
    %get3A_273 = vector.load %arg0[%get3A_271, %get3A_272] : memref<5120x4xf32, #tpu.memory_space<vmem>>, vector<512x1xf32>
    %sub3A_274 = arith.subf %get3A_270, %get3A_264 : vector<512x1xf32>
    %sub3A_275 = arith.subf %get3A_273, %get3A_267 : vector<512x1xf32>
    %mul3A_276 = arith.mulf %sub3A_274, %sub3A_275 : vector<512x1xf32>
    %get3A_277 = arith.constant 0 : index
    %get3A_278 = arith.constant 512 : index
    %get3A_279 = vector.load %arg1[%get3A_277, %get3A_278] : memref<4x5120xf32, #tpu.memory_space<vmem>>, vector<1x512xf32>
    %get3A_280 = arith.constant 1 : index
    %get3A_281 = arith.constant 512 : index
    %get3A_282 = vector.load %arg1[%get3A_280, %get3A_281] : memref<4x5120xf32, #tpu.memory_space<vmem>>, vector<1x512xf32>
    %get3A_283 = arith.constant 2 : index
    %get3A_284 = arith.constant 512 : index
    %get3A_285 = vector.load %arg1[%get3A_283, %get3A_284] : memref<4x5120xf32, #tpu.memory_space<vmem>>, vector<1x512xf32>
    %get3A_286 = arith.constant 3 : index
    %get3A_287 = arith.constant 512 : index
    %get3A_288 = vector.load %arg1[%get3A_286, %get3A_287] : memref<4x5120xf32, #tpu.memory_space<vmem>>, vector<1x512xf32>
    %sub3A_289 = arith.subf %get3A_285, %get3A_279 : vector<1x512xf32>
    %sub3A_290 = arith.subf %get3A_288, %get3A_282 : vector<1x512xf32>
    %mul3A_291 = arith.mulf %sub3A_289, %sub3A_290 : vector<1x512xf32>
    %min3A_292 = vector.broadcast %get3A_270 : vector<512x1xf32> to vector<512x512xf32>
    %min3A_293 = vector.broadcast %get3A_285 : vector<1x512xf32> to vector<512x512xf32>
    %min3A_294 = arith.minimumf %min3A_292, %min3A_293 : vector<512x512xf32>
    %max3A_295 = vector.broadcast %get3A_264 : vector<512x1xf32> to vector<512x512xf32>
    %max3A_296 = vector.broadcast %get3A_279 : vector<1x512xf32> to vector<512x512xf32>
    %max3A_297 = arith.maximumf %max3A_295, %max3A_296 : vector<512x512xf32>
    %sub3A_298 = arith.subf %min3A_294, %max3A_297 : vector<512x512xf32>
    %jit3A_299 = arith.constant 0.000000e+00 : f32
    %max3A_300 = vector.broadcast %jit3A_299 : f32 to vector<512x512xf32>
    %max3A_301 = arith.maximumf %max3A_300, %sub3A_298 : vector<512x512xf32>
    %min3A_302 = vector.broadcast %get3A_273 : vector<512x1xf32> to vector<512x512xf32>
    %min3A_303 = vector.broadcast %get3A_288 : vector<1x512xf32> to vector<512x512xf32>
    %min3A_304 = arith.minimumf %min3A_302, %min3A_303 : vector<512x512xf32>
    %max3A_305 = vector.broadcast %get3A_267 : vector<512x1xf32> to vector<512x512xf32>
    %max3A_306 = vector.broadcast %get3A_282 : vector<1x512xf32> to vector<512x512xf32>
    %max3A_307 = arith.maximumf %max3A_305, %max3A_306 : vector<512x512xf32>
    %sub3A_308 = arith.subf %min3A_304, %max3A_307 : vector<512x512xf32>
    %jit3A_309 = arith.constant 0.000000e+00 : f32
    %max3A_310 = vector.broadcast %jit3A_309 : f32 to vector<512x512xf32>
    %max3A_311 = arith.maximumf %max3A_310, %sub3A_308 : vector<512x512xf32>
    %mul3A_312 = arith.mulf %max3A_301, %max3A_311 : vector<512x512xf32>
    %add3A_313 = vector.broadcast %mul3A_276 : vector<512x1xf32> to vector<512x512xf32>
    %add3A_314 = vector.broadcast %mul3A_291 : vector<1x512xf32> to vector<512x512xf32>
    %add3A_315 = arith.addf %add3A_313, %add3A_314 : vector<512x512xf32>
    %sub3A_316 = arith.subf %add3A_315, %mul3A_312 : vector<512x512xf32>
    %max3A_317 = arith.constant 9.99999993E-9 : f32
    %max3A_318 = vector.broadcast %max3A_317 : f32 to vector<512x512xf32>
    %max3A_319 = arith.maximumf %sub3A_316, %max3A_318 : vector<512x512xf32>
    %div3A_320 = arith.divf %mul3A_312, %max3A_319 : vector<512x512xf32>
    %gt3A_321 = arith.constant 5.000000e-01 : f32
    %gt3A_322 = vector.broadcast %gt3A_321 : f32 to vector<512x512xf32>
    %gt3A_323 = arith.cmpf ogt, %div3A_320, %gt3A_322 : vector<512x512xf32>
    %and3A_324 = arith.andi %gt3A_323, %lt3A : vector<512x512xi1>
    %convert_element_type3A_325 = arith.extui %and3A_324 : vector<512x512xi1> to vector<512x512xi32>
    %convert_element_type3A_326 = arith.sitofp %convert_element_type3A_325 : vector<512x512xi32> to vector<512x512xf32>
    %swap3A_327 = arith.constant 0 : index
    %swap3A_328 = arith.constant 0 : index
    %swap3A_329 = vector.load %arg6[%swap3A_327, %swap3A_328] : memref<512x512xf32, #tpu.memory_space<vmem>>, vector<512x512xf32>
    tpu.vector_store %arg6[%swap3A_327, %swap3A_328], %convert_element_type3A_326 {strides = array<i32>} : memref<512x512xf32, #tpu.memory_space<vmem>>, vector<512x512xf32>,
    %while3A_330 = arith.constant true
    %while3A_331:2 = scf.while (%while3A_1809 = %select_n3A, %while3A_1810 = %while3A_330) : (vector<1x512xf32>, i1) -> (vector<1x512xf32>, i1) {
      scf.condition(%while3A_1810) %while3A_1809, %while3A_1810 : vector<1x512xf32>, i1
    } do {
    ^bb0(%while3A_1809: vector<1x512xf32>, %while3A_1810: i1):
      %get3A_1811 = arith.constant 0 : index
      %get3A_1812 = arith.constant 0 : index
      %get3A_1813 = vector.load %arg6[%get3A_1811, %get3A_1812] : memref<512x512xf32, #tpu.memory_space<vmem>>, vector<512x512xf32>
      %dot_general3A_1814 = arith.constant dense<0.000000e+00> : vector<1x512xf32>
      %dot_general3A_1815 = tpu.matmul %while3A_1809, %get3A_1813, %dot_general3A_1814 {dimension_numbers = #tpu.dot_dimension_numbers<[1], [0], [0], [1], [0, 0, 1, 1], [], []>, transpose_lhs_hint = false} : vector<1x512xf32>, vector<512x512xf32>, vector<1x512xf32> -> vector<1x512xf32>
      %eq3A_1816 = arith.constant 0.000000e+00 : f32
      %eq3A_1817 = vector.broadcast %eq3A_1816 : f32 to vector<1x512xf32>
      %eq3A_1818 = arith.cmpf oeq, %dot_general3A_1815, %eq3A_1817 : vector<1x512xf32>
      %jit3A_1819 = arith.constant 0.000000e+00 : f32
      %broadcast_in_dim3A_1820 = vector.broadcast %jit3A_1819 : f32 to vector<1x512xf32>
      %select_n3A_1821 = arith.select %eq3A_1818, %select_n3A, %broadcast_in_dim3A_1820 : vector<1x512xi1>, vector<1x512xf32>
      %ne3A = arith.cmpf one, %select_n3A_1821, %while3A_1809 : vector<1x512xf32>
      %reduce_or3A = arith.constant 1.000000e+00 : f32
      %reduce_or3A_1822 = arith.constant 0.000000e+00 : f32
      %reduce_or3A_1823 = vector.broadcast %reduce_or3A : f32 to vector<1x512xf32>
      %reduce_or3A_1824 = vector.broadcast %reduce_or3A_1822 : f32 to vector<1x512xf32>
      %reduce_or3A_1825 = arith.select %ne3A, %reduce_or3A_1823, %reduce_or3A_1824 : vector<1x512xi1>, vector<1x512xf32>
      %reduce_or3A_1826 = vector.shape_cast %reduce_or3A_1825 : vector<1x512xf32> to vector<1x1x512xf32>
      %reduce_or3A_1827 = arith.constant dense<0xFF800000> : vector<1xf32>
      %reduce_or3A_1828 = vector.multi_reduction <maximumf>, %reduce_or3A_1826, %reduce_or3A_1827 [1, 2] : vector<1x1x512xf32> to vector<1xf32>
      %reduce_or3A_1829 = vector.shape_cast %reduce_or3A_1828 : vector<1xf32> to vector<1x1x1xf32>
      %reduce_or3A_1830 = vector.extract %reduce_or3A_1829[0, 0, 0] : f32 from vector<1x1x1xf32>
      %reduce_or3A_1831 = arith.constant 0.000000e+00 : f32
      %reduce_or3A_1832 = arith.cmpf ogt, %reduce_or3A_1830, %reduce_or3A_1831 : f32
      scf.yield %select_n3A_1821, %reduce_or3A_1832 : vector<1x512xf32>, i1
    }
    %get3A_332 = arith.constant 512 : index
    %get3A_333 = arith.constant 0 : index
    %get3A_334 = vector.load %arg0[%get3A_332, %get3A_333] : memref<5120x4xf32, #tpu.memory_space<vmem>>, vector<512x1xf32>
    %get3A_335 = arith.constant 512 : index
    %get3A_336 = arith.constant 1 : index
    %get3A_337 = vector.load %arg0[%get3A_335, %get3A_336] : memref<5120x4xf32, #tpu.memory_space<vmem>>, vector<512x1xf32>
    %get3A_338 = arith.constant 512 : index
    %get3A_339 = arith.constant 2 : index
    %get3A_340 = vector.load %arg0[%get3A_338, %get3A_339] : memref<5120x4xf32, #tpu.memory_space<vmem>>, vector<512x1xf32>
    %get3A_341 = arith.constant 512 : index
    %get3A_342 = arith.constant 3 : index
    %get3A_343 = vector.load %arg0[%get3A_341, %get3A_342] : memref<5120x4xf32, #tpu.memory_space<vmem>>, vector<512x1xf32>
    %sub3A_344 = arith.subf %get3A_340, %get3A_334 : vector<512x1xf32>
    %sub3A_345 = arith.subf %get3A_343, %get3A_337 : vector<512x1xf32>
    %mul3A_346 = arith.mulf %sub3A_344, %sub3A_345 : vector<512x1xf32>
    %get3A_347 = arith.constant 0 : index
    %get3A_348 = arith.constant 1024 : index
    %get3A_349 = vector.load %arg1[%get3A_347, %get3A_348] : memref<4x5120xf32, #tpu.memory_space<vmem>>, vector<1x4096xf32>
    %get3A_350 = arith.constant 1 : index
    %get3A_351 = arith.constant 1024 : index
    %get3A_352 = vector.load %arg1[%get3A_350, %get3A_351] : memref<4x5120xf32, #tpu.memory_space<vmem>>, vector<1x4096xf32>
    %get3A_353 = arith.constant 2 : index
    %get3A_354 = arith.constant 1024 : index
    %get3A_355 = vector.load %arg1[%get3A_353, %get3A_354] : memref<4x5120xf32, #tpu.memory_space<vmem>>, vector<1x4096xf32>
    %get3A_356 = arith.constant 3 : index
    %get3A_357 = arith.constant 1024 : index
    %get3A_358 = vector.load %arg1[%get3A_356, %get3A_357] : memref<4x5120xf32, #tpu.memory_space<vmem>>, vector<1x4096xf32>
    %sub3A_359 = arith.subf %get3A_355, %get3A_349 : vector<1x4096xf32>
    %sub3A_360 = arith.subf %get3A_358, %get3A_352 : vector<1x4096xf32>
    %mul3A_361 = arith.mulf %sub3A_359, %sub3A_360 : vector<1x4096xf32>
    %min3A_362 = vector.broadcast %get3A_340 : vector<512x1xf32> to vector<512x4096xf32>
    %min3A_363 = vector.broadcast %get3A_355 : vector<1x4096xf32> to vector<512x4096xf32>
    %min3A_364 = arith.minimumf %min3A_362, %min3A_363 : vector<512x4096xf32>
    %max3A_365 = vector.broadcast %get3A_334 : vector<512x1xf32> to vector<512x4096xf32>
    %max3A_366 = vector.broadcast %get3A_349 : vector<1x4096xf32> to vector<512x4096xf32>
    %max3A_367 = arith.maximumf %max3A_365, %max3A_366 : vector<512x4096xf32>
    %sub3A_368 = arith.subf %min3A_364, %max3A_367 : vector<512x4096xf32>
    %jit3A_369 = arith.constant 0.000000e+00 : f32
    %max3A_370 = vector.broadcast %jit3A_369 : f32 to vector<512x4096xf32>
    %max3A_371 = arith.maximumf %max3A_370, %sub3A_368 : vector<512x4096xf32>
    %min3A_372 = vector.broadcast %get3A_343 : vector<512x1xf32> to vector<512x4096xf32>
    %min3A_373 = vector.broadcast %get3A_358 : vector<1x4096xf32> to vector<512x4096xf32>
    %min3A_374 = arith.minimumf %min3A_372, %min3A_373 : vector<512x4096xf32>
    %max3A_375 = vector.broadcast %get3A_337 : vector<512x1xf32> to vector<512x4096xf32>
    %max3A_376 = vector.broadcast %get3A_352 : vector<1x4096xf32> to vector<512x4096xf32>
    %max3A_377 = arith.maximumf %max3A_375, %max3A_376 : vector<512x4096xf32>
    %sub3A_378 = arith.subf %min3A_374, %max3A_377 : vector<512x4096xf32>
    %jit3A_379 = arith.constant 0.000000e+00 : f32
    %max3A_380 = vector.broadcast %jit3A_379 : f32 to vector<512x4096xf32>
    %max3A_381 = arith.maximumf %max3A_380, %sub3A_378 : vector<512x4096xf32>
    %mul3A_382 = arith.mulf %max3A_371, %max3A_381 : vector<512x4096xf32>
    %add3A_383 = vector.broadcast %mul3A_346 : vector<512x1xf32> to vector<512x4096xf32>
    %add3A_384 = vector.broadcast %mul3A_361 : vector<1x4096xf32> to vector<512x4096xf32>
    %add3A_385 = arith.addf %add3A_383, %add3A_384 : vector<512x4096xf32>
    %sub3A_386 = arith.subf %add3A_385, %mul3A_382 : vector<512x4096xf32>
    %max3A_387 = arith.constant 9.99999993E-9 : f32
    %max3A_388 = vector.broadcast %max3A_387 : f32 to vector<512x4096xf32>
    %max3A_389 = arith.maximumf %sub3A_386, %max3A_388 : vector<512x4096xf32>
    %div3A_390 = arith.divf %mul3A_382, %max3A_389 : vector<512x4096xf32>
    %gt3A_391 = arith.constant 5.000000e-01 : f32
    %gt3A_392 = vector.broadcast %gt3A_391 : f32 to vector<512x4096xf32>
    %gt3A_393 = arith.cmpf ogt, %div3A_390, %gt3A_392 : vector<512x4096xf32>
    %convert_element_type3A_394 = arith.extui %gt3A_393 : vector<512x4096xi1> to vector<512x4096xi32>
    %convert_element_type3A_395 = arith.sitofp %convert_element_type3A_394 : vector<512x4096xi32> to vector<512x4096xf32>
    %dot_general3A_396 = arith.constant dense<0.000000e+00> : vector<1x4096xf32>
    %dot_general3A_397 = tpu.matmul %while3A_331#0, %convert_element_type3A_395, %dot_general3A_396 {dimension_numbers = #tpu.dot_dimension_numbers<[1], [0], [0], [1], [0, 0, 1, 1], [], []>, transpose_lhs_hint = false} : vector<1x512xf32>, vector<512x4096xf32>, vector<1x4096xf32> -> vector<1x4096xf32>
    %slice3A_398 = vector.extract_strided_slice %dot_general3A_397 {offsets = [0, 0], sizes = [1, 512], strides = [1, 1]} : vector<1x4096xf32> to vector<1x512xf32>
    %eq3A_399 = arith.constant 0.000000e+00 : f32
    %eq3A_400 = vector.broadcast %eq3A_399 : f32 to vector<1x512xf32>
    %eq3A_401 = arith.cmpf oeq, %slice3A_398, %eq3A_400 : vector<1x512xf32>
    %jit3A_402 = arith.constant 0.000000e+00 : f32
    %broadcast_in_dim3A_403 = vector.broadcast %jit3A_402 : f32 to vector<1x512xf32>
    %select_n3A_404 = arith.select %eq3A_401, %select_n3A_212, %broadcast_in_dim3A_403 : vector<1x512xi1>, vector<1x512xf32>
    %slice3A_405 = vector.extract_strided_slice %dot_general3A_397 {offsets = [0, 512], sizes = [1, 512], strides = [1, 1]} : vector<1x4096xf32> to vector<1x512xf32>
    %eq3A_406 = arith.constant 0.000000e+00 : f32
    %eq3A_407 = vector.broadcast %eq3A_406 : f32 to vector<1x512xf32>
    %eq3A_408 = arith.cmpf oeq, %slice3A_405, %eq3A_407 : vector<1x512xf32>
    %jit3A_409 = arith.constant 0.000000e+00 : f32
    %broadcast_in_dim3A_410 = vector.broadcast %jit3A_409 : f32 to vector<1x512xf32>
    %select_n3A_411 = arith.select %eq3A_408, %select_n3A_219, %broadcast_in_dim3A_410 : vector<1x512xi1>, vector<1x512xf32>
    %slice3A_412 = vector.extract_strided_slice %dot_general3A_397 {offsets = [0, 1024], sizes = [1, 512], strides = [1, 1]} : vector<1x4096xf32> to vector<1x512xf32>
    %eq3A_413 = arith.constant 0.000000e+00 : f32
    %eq3A_414 = vector.broadcast %eq3A_413 : f32 to vector<1x512xf32>
    %eq3A_415 = arith.cmpf oeq, %slice3A_412, %eq3A_414 : vector<1x512xf32>
    %jit3A_416 = arith.constant 0.000000e+00 : f32
    %broadcast_in_dim3A_417 = vector.broadcast %jit3A_416 : f32 to vector<1x512xf32>
    %select_n3A_418 = arith.select %eq3A_415, %select_n3A_226, %broadcast_in_dim3A_417 : vector<1x512xi1>, vector<1x512xf32>
    %slice3A_419 = vector.extract_strided_slice %dot_general3A_397 {offsets = [0, 1536], sizes = [1, 512], strides = [1, 1]} : vector<1x4096xf32> to vector<1x512xf32>
    %eq3A_420 = arith.constant 0.000000e+00 : f32
    %eq3A_421 = vector.broadcast %eq3A_420 : f32 to vector<1x512xf32>
    %eq3A_422 = arith.cmpf oeq, %slice3A_419, %eq3A_421 : vector<1x512xf32>
    %jit3A_423 = arith.constant 0.000000e+00 : f32
    %broadcast_in_dim3A_424 = vector.broadcast %jit3A_423 : f32 to vector<1x512xf32>
    %select_n3A_425 = arith.select %eq3A_422, %select_n3A_233, %broadcast_in_dim3A_424 : vector<1x512xi1>, vector<1x512xf32>
    %slice3A_426 = vector.extract_strided_slice %dot_general3A_397 {offsets = [0, 2048], sizes = [1, 512], strides = [1, 1]} : vector<1x4096xf32> to vector<1x512xf32>
    %eq3A_427 = arith.constant 0.000000e+00 : f32
    %eq3A_428 = vector.broadcast %eq3A_427 : f32 to vector<1x512xf32>
    %eq3A_429 = arith.cmpf oeq, %slice3A_426, %eq3A_428 : vector<1x512xf32>
    %jit3A_430 = arith.constant 0.000000e+00 : f32
    %broadcast_in_dim3A_431 = vector.broadcast %jit3A_430 : f32 to vector<1x512xf32>
    %select_n3A_432 = arith.select %eq3A_429, %select_n3A_240, %broadcast_in_dim3A_431 : vector<1x512xi1>, vector<1x512xf32>
    %slice3A_433 = vector.extract_strided_slice %dot_general3A_397 {offsets = [0, 2560], sizes = [1, 512], strides = [1, 1]} : vector<1x4096xf32> to vector<1x512xf32>
    %eq3A_434 = arith.constant 0.000000e+00 : f32
    %eq3A_435 = vector.broadcast %eq3A_434 : f32 to vector<1x512xf32>
    %eq3A_436 = arith.cmpf oeq, %slice3A_433, %eq3A_435 : vector<1x512xf32>
    %jit3A_437 = arith.constant 0.000000e+00 : f32
    %broadcast_in_dim3A_438 = vector.broadcast %jit3A_437 : f32 to vector<1x512xf32>
    %select_n3A_439 = arith.select %eq3A_436, %select_n3A_247, %broadcast_in_dim3A_438 : vector<1x512xi1>, vector<1x512xf32>
    %slice3A_440 = vector.extract_strided_slice %dot_general3A_397 {offsets = [0, 3072], sizes = [1, 512], strides = [1, 1]} : vector<1x4096xf32> to vector<1x512xf32>
    %eq3A_441 = arith.constant 0.000000e+00 : f32
    %eq3A_442 = vector.broadcast %eq3A_441 : f32 to vector<1x512xf32>
    %eq3A_443 = arith.cmpf oeq, %slice3A_440, %eq3A_442 : vector<1x512xf32>
    %jit3A_444 = arith.constant 0.000000e+00 : f32
    %broadcast_in_dim3A_445 = vector.broadcast %jit3A_444 : f32 to vector<1x512xf32>
    %select_n3A_446 = arith.select %eq3A_443, %select_n3A_254, %broadcast_in_dim3A_445 : vector<1x512xi1>, vector<1x512xf32>
    %slice3A_447 = vector.extract_strided_slice %dot_general3A_397 {offsets = [0, 3584], sizes = [1, 512], strides = [1, 1]} : vector<1x4096xf32> to vector<1x512xf32>
    %eq3A_448 = arith.constant 0.000000e+00 : f32
    %eq3A_449 = vector.broadcast %eq3A_448 : f32 to vector<1x512xf32>
    %eq3A_450 = arith.cmpf oeq, %slice3A_447, %eq3A_449 : vector<1x512xf32>
    %jit3A_451 = arith.constant 0.000000e+00 : f32
    %broadcast_in_dim3A_452 = vector.broadcast %jit3A_451 : f32 to vector<1x512xf32>
    %select_n3A_453 = arith.select %eq3A_450, %select_n3A_261, %broadcast_in_dim3A_452 : vector<1x512xi1>, vector<1x512xf32>
    %get3A_454 = arith.constant 1024 : index
    %get3A_455 = arith.constant 0 : index
    %get3A_456 = vector.load %arg0[%get3A_454, %get3A_455] : memref<5120x4xf32, #tpu.memory_space<vmem>>, vector<512x1xf32>
    %get3A_457 = arith.constant 1024 : index
    %get3A_458 = arith.constant 1 : index
    %get3A_459 = vector.load %arg0[%get3A_457, %get3A_458] : memref<5120x4xf32, #tpu.memory_space<vmem>>, vector<512x1xf32>
    %get3A_460 = arith.constant 1024 : index
    %get3A_461 = arith.constant 2 : index
    %get3A_462 = vector.load %arg0[%get3A_460, %get3A_461] : memref<5120x4xf32, #tpu.memory_space<vmem>>, vector<512x1xf32>
    %get3A_463 = arith.constant 1024 : index
    %get3A_464 = arith.constant 3 : index
    %get3A_465 = vector.load %arg0[%get3A_463, %get3A_464] : memref<5120x4xf32, #tpu.memory_space<vmem>>, vector<512x1xf32>
    %sub3A_466 = arith.subf %get3A_462, %get3A_456 : vector<512x1xf32>
    %sub3A_467 = arith.subf %get3A_465, %get3A_459 : vector<512x1xf32>
    %mul3A_468 = arith.mulf %sub3A_466, %sub3A_467 : vector<512x1xf32>
    %get3A_469 = arith.constant 0 : index
    %get3A_470 = arith.constant 1024 : index
    %get3A_471 = vector.load %arg1[%get3A_469, %get3A_470] : memref<4x5120xf32, #tpu.memory_space<vmem>>, vector<1x512xf32>
    %get3A_472 = arith.constant 1 : index
    %get3A_473 = arith.constant 1024 : index
    %get3A_474 = vector.load %arg1[%get3A_472, %get3A_473] : memref<4x5120xf32, #tpu.memory_space<vmem>>, vector<1x512xf32>
    %get3A_475 = arith.constant 2 : index
    %get3A_476 = arith.constant 1024 : index
    %get3A_477 = vector.load %arg1[%get3A_475, %get3A_476] : memref<4x5120xf32, #tpu.memory_space<vmem>>, vector<1x512xf32>
    %get3A_478 = arith.constant 3 : index
    %get3A_479 = arith.constant 1024 : index
    %get3A_480 = vector.load %arg1[%get3A_478, %get3A_479] : memref<4x5120xf32, #tpu.memory_space<vmem>>, vector<1x512xf32>
    %sub3A_481 = arith.subf %get3A_477, %get3A_471 : vector<1x512xf32>
    %sub3A_482 = arith.subf %get3A_480, %get3A_474 : vector<1x512xf32>
    %mul3A_483 = arith.mulf %sub3A_481, %sub3A_482 : vector<1x512xf32>
    %min3A_484 = vector.broadcast %get3A_462 : vector<512x1xf32> to vector<512x512xf32>
    %min3A_485 = vector.broadcast %get3A_477 : vector<1x512xf32> to vector<512x512xf32>
    %min3A_486 = arith.minimumf %min3A_484, %min3A_485 : vector<512x512xf32>
    %max3A_487 = vector.broadcast %get3A_456 : vector<512x1xf32> to vector<512x512xf32>
    %max3A_488 = vector.broadcast %get3A_471 : vector<1x512xf32> to vector<512x512xf32>
    %max3A_489 = arith.maximumf %max3A_487, %max3A_488 : vector<512x512xf32>
    %sub3A_490 = arith.subf %min3A_486, %max3A_489 : vector<512x512xf32>
    %jit3A_491 = arith.constant 0.000000e+00 : f32
    %max3A_492 = vector.broadcast %jit3A_491 : f32 to vector<512x512xf32>
    %max3A_493 = arith.maximumf %max3A_492, %sub3A_490 : vector<512x512xf32>
    %min3A_494 = vector.broadcast %get3A_465 : vector<512x1xf32> to vector<512x512xf32>
    %min3A_495 = vector.broadcast %get3A_480 : vector<1x512xf32> to vector<512x512xf32>
    %min3A_496 = arith.minimumf %min3A_494, %min3A_495 : vector<512x512xf32>
    %max3A_497 = vector.broadcast %get3A_459 : vector<512x1xf32> to vector<512x512xf32>
    %max3A_498 = vector.broadcast %get3A_474 : vector<1x512xf32> to vector<512x512xf32>
    %max3A_499 = arith.maximumf %max3A_497, %max3A_498 : vector<512x512xf32>
    %sub3A_500 = arith.subf %min3A_496, %max3A_499 : vector<512x512xf32>
    %jit3A_501 = arith.constant 0.000000e+00 : f32
    %max3A_502 = vector.broadcast %jit3A_501 : f32 to vector<512x512xf32>
    %max3A_503 = arith.maximumf %max3A_502, %sub3A_500 : vector<512x512xf32>
    %mul3A_504 = arith.mulf %max3A_493, %max3A_503 : vector<512x512xf32>
    %add3A_505 = vector.broadcast %mul3A_468 : vector<512x1xf32> to vector<512x512xf32>
    %add3A_506 = vector.broadcast %mul3A_483 : vector<1x512xf32> to vector<512x512xf32>
    %add3A_507 = arith.addf %add3A_505, %add3A_506 : vector<512x512xf32>
    %sub3A_508 = arith.subf %add3A_507, %mul3A_504 : vector<512x512xf32>
    %max3A_509 = arith.constant 9.99999993E-9 : f32
    %max3A_510 = vector.broadcast %max3A_509 : f32 to vector<512x512xf32>
    %max3A_511 = arith.maximumf %sub3A_508, %max3A_510 : vector<512x512xf32>
    %div3A_512 = arith.divf %mul3A_504, %max3A_511 : vector<512x512xf32>
    %gt3A_513 = arith.constant 5.000000e-01 : f32
    %gt3A_514 = vector.broadcast %gt3A_513 : f32 to vector<512x512xf32>
    %gt3A_515 = arith.cmpf ogt, %div3A_512, %gt3A_514 : vector<512x512xf32>
    %and3A_516 = arith.andi %gt3A_515, %lt3A : vector<512x512xi1>
    %convert_element_type3A_517 = arith.extui %and3A_516 : vector<512x512xi1> to vector<512x512xi32>
    %convert_element_type3A_518 = arith.sitofp %convert_element_type3A_517 : vector<512x512xi32> to vector<512x512xf32>
    %swap3A_519 = arith.constant 0 : index
    %swap3A_520 = arith.constant 0 : index
    %swap3A_521 = vector.load %arg6[%swap3A_519, %swap3A_520] : memref<512x512xf32, #tpu.memory_space<vmem>>, vector<512x512xf32>
    tpu.vector_store %arg6[%swap3A_519, %swap3A_520], %convert_element_type3A_518 {strides = array<i32>} : memref<512x512xf32, #tpu.memory_space<vmem>>, vector<512x512xf32>,
    %while3A_522 = arith.constant true
    %while3A_523:2 = scf.while (%while3A_1809 = %select_n3A_404, %while3A_1810 = %while3A_522) : (vector<1x512xf32>, i1) -> (vector<1x512xf32>, i1) {
      scf.condition(%while3A_1810) %while3A_1809, %while3A_1810 : vector<1x512xf32>, i1
    } do {
    ^bb0(%while3A_1809: vector<1x512xf32>, %while3A_1810: i1):
      %get3A_1811 = arith.constant 0 : index
      %get3A_1812 = arith.constant 0 : index
      %get3A_1813 = vector.load %arg6[%get3A_1811, %get3A_1812] : memref<512x512xf32, #tpu.memory_space<vmem>>, vector<512x512xf32>
      %dot_general3A_1814 = arith.constant dense<0.000000e+00> : vector<1x512xf32>
      %dot_general3A_1815 = tpu.matmul %while3A_1809, %get3A_1813, %dot_general3A_1814 {dimension_numbers = #tpu.dot_dimension_numbers<[1], [0], [0], [1], [0, 0, 1, 1], [], []>, transpose_lhs_hint = false} : vector<1x512xf32>, vector<512x512xf32>, vector<1x512xf32> -> vector<1x512xf32>
      %eq3A_1816 = arith.constant 0.000000e+00 : f32
      %eq3A_1817 = vector.broadcast %eq3A_1816 : f32 to vector<1x512xf32>
      %eq3A_1818 = arith.cmpf oeq, %dot_general3A_1815, %eq3A_1817 : vector<1x512xf32>
      %jit3A_1819 = arith.constant 0.000000e+00 : f32
      %broadcast_in_dim3A_1820 = vector.broadcast %jit3A_1819 : f32 to vector<1x512xf32>
      %select_n3A_1821 = arith.select %eq3A_1818, %select_n3A_404, %broadcast_in_dim3A_1820 : vector<1x512xi1>, vector<1x512xf32>
      %ne3A = arith.cmpf one, %select_n3A_1821, %while3A_1809 : vector<1x512xf32>
      %reduce_or3A = arith.constant 1.000000e+00 : f32
      %reduce_or3A_1822 = arith.constant 0.000000e+00 : f32
      %reduce_or3A_1823 = vector.broadcast %reduce_or3A : f32 to vector<1x512xf32>
      %reduce_or3A_1824 = vector.broadcast %reduce_or3A_1822 : f32 to vector<1x512xf32>
      %reduce_or3A_1825 = arith.select %ne3A, %reduce_or3A_1823, %reduce_or3A_1824 : vector<1x512xi1>, vector<1x512xf32>
      %reduce_or3A_1826 = vector.shape_cast %reduce_or3A_1825 : vector<1x512xf32> to vector<1x1x512xf32>
      %reduce_or3A_1827 = arith.constant dense<0xFF800000> : vector<1xf32>
      %reduce_or3A_1828 = vector.multi_reduction <maximumf>, %reduce_or3A_1826, %reduce_or3A_1827 [1, 2] : vector<1x1x512xf32> to vector<1xf32>
      %reduce_or3A_1829 = vector.shape_cast %reduce_or3A_1828 : vector<1xf32> to vector<1x1x1xf32>
      %reduce_or3A_1830 = vector.extract %reduce_or3A_1829[0, 0, 0] : f32 from vector<1x1x1xf32>
      %reduce_or3A_1831 = arith.constant 0.000000e+00 : f32
      %reduce_or3A_1832 = arith.cmpf ogt, %reduce_or3A_1830, %reduce_or3A_1831 : f32
      scf.yield %select_n3A_1821, %reduce_or3A_1832 : vector<1x512xf32>, i1
    }
    %get3A_524 = arith.constant 1024 : index
    %get3A_525 = arith.constant 0 : index
    %get3A_526 = vector.load %arg0[%get3A_524, %get3A_525] : memref<5120x4xf32, #tpu.memory_space<vmem>>, vector<512x1xf32>
    %get3A_527 = arith.constant 1024 : index
    %get3A_528 = arith.constant 1 : index
    %get3A_529 = vector.load %arg0[%get3A_527, %get3A_528] : memref<5120x4xf32, #tpu.memory_space<vmem>>, vector<512x1xf32>
    %get3A_530 = arith.constant 1024 : index
    %get3A_531 = arith.constant 2 : index
    %get3A_532 = vector.load %arg0[%get3A_530, %get3A_531] : memref<5120x4xf32, #tpu.memory_space<vmem>>, vector<512x1xf32>
    %get3A_533 = arith.constant 1024 : index
    %get3A_534 = arith.constant 3 : index
    %get3A_535 = vector.load %arg0[%get3A_533, %get3A_534] : memref<5120x4xf32, #tpu.memory_space<vmem>>, vector<512x1xf32>
    %sub3A_536 = arith.subf %get3A_532, %get3A_526 : vector<512x1xf32>
    %sub3A_537 = arith.subf %get3A_535, %get3A_529 : vector<512x1xf32>
    %mul3A_538 = arith.mulf %sub3A_536, %sub3A_537 : vector<512x1xf32>
    %get3A_539 = arith.constant 0 : index
    %get3A_540 = arith.constant 1536 : index
    %get3A_541 = vector.load %arg1[%get3A_539, %get3A_540] : memref<4x5120xf32, #tpu.memory_space<vmem>>, vector<1x3584xf32>
    %get3A_542 = arith.constant 1 : index
    %get3A_543 = arith.constant 1536 : index
    %get3A_544 = vector.load %arg1[%get3A_542, %get3A_543] : memref<4x5120xf32, #tpu.memory_space<vmem>>, vector<1x3584xf32>
    %get3A_545 = arith.constant 2 : index
    %get3A_546 = arith.constant 1536 : index
    %get3A_547 = vector.load %arg1[%get3A_545, %get3A_546] : memref<4x5120xf32, #tpu.memory_space<vmem>>, vector<1x3584xf32>
    %get3A_548 = arith.constant 3 : index
    %get3A_549 = arith.constant 1536 : index
    %get3A_550 = vector.load %arg1[%get3A_548, %get3A_549] : memref<4x5120xf32, #tpu.memory_space<vmem>>, vector<1x3584xf32>
    %sub3A_551 = arith.subf %get3A_547, %get3A_541 : vector<1x3584xf32>
    %sub3A_552 = arith.subf %get3A_550, %get3A_544 : vector<1x3584xf32>
    %mul3A_553 = arith.mulf %sub3A_551, %sub3A_552 : vector<1x3584xf32>
    %min3A_554 = vector.broadcast %get3A_532 : vector<512x1xf32> to vector<512x3584xf32>
    %min3A_555 = vector.broadcast %get3A_547 : vector<1x3584xf32> to vector<512x3584xf32>
    %min3A_556 = arith.minimumf %min3A_554, %min3A_555 : vector<512x3584xf32>
    %max3A_557 = vector.broadcast %get3A_526 : vector<512x1xf32> to vector<512x3584xf32>
    %max3A_558 = vector.broadcast %get3A_541 : vector<1x3584xf32> to vector<512x3584xf32>
    %max3A_559 = arith.maximumf %max3A_557, %max3A_558 : vector<512x3584xf32>
    %sub3A_560 = arith.subf %min3A_556, %max3A_559 : vector<512x3584xf32>
    %jit3A_561 = arith.constant 0.000000e+00 : f32
    %max3A_562 = vector.broadcast %jit3A_561 : f32 to vector<512x3584xf32>
    %max3A_563 = arith.maximumf %max3A_562, %sub3A_560 : vector<512x3584xf32>
    %min3A_564 = vector.broadcast %get3A_535 : vector<512x1xf32> to vector<512x3584xf32>
    %min3A_565 = vector.broadcast %get3A_550 : vector<1x3584xf32> to vector<512x3584xf32>
    %min3A_566 = arith.minimumf %min3A_564, %min3A_565 : vector<512x3584xf32>
    %max3A_567 = vector.broadcast %get3A_529 : vector<512x1xf32> to vector<512x3584xf32>
    %max3A_568 = vector.broadcast %get3A_544 : vector<1x3584xf32> to vector<512x3584xf32>
    %max3A_569 = arith.maximumf %max3A_567, %max3A_568 : vector<512x3584xf32>
    %sub3A_570 = arith.subf %min3A_566, %max3A_569 : vector<512x3584xf32>
    %jit3A_571 = arith.constant 0.000000e+00 : f32
    %max3A_572 = vector.broadcast %jit3A_571 : f32 to vector<512x3584xf32>
    %max3A_573 = arith.maximumf %max3A_572, %sub3A_570 : vector<512x3584xf32>
    %mul3A_574 = arith.mulf %max3A_563, %max3A_573 : vector<512x3584xf32>
    %add3A_575 = vector.broadcast %mul3A_538 : vector<512x1xf32> to vector<512x3584xf32>
    %add3A_576 = vector.broadcast %mul3A_553 : vector<1x3584xf32> to vector<512x3584xf32>
    %add3A_577 = arith.addf %add3A_575, %add3A_576 : vector<512x3584xf32>
    %sub3A_578 = arith.subf %add3A_577, %mul3A_574 : vector<512x3584xf32>
    %max3A_579 = arith.constant 9.99999993E-9 : f32
    %max3A_580 = vector.broadcast %max3A_579 : f32 to vector<512x3584xf32>
    %max3A_581 = arith.maximumf %sub3A_578, %max3A_580 : vector<512x3584xf32>
    %div3A_582 = arith.divf %mul3A_574, %max3A_581 : vector<512x3584xf32>
    %gt3A_583 = arith.constant 5.000000e-01 : f32
    %gt3A_584 = vector.broadcast %gt3A_583 : f32 to vector<512x3584xf32>
    %gt3A_585 = arith.cmpf ogt, %div3A_582, %gt3A_584 : vector<512x3584xf32>
    %convert_element_type3A_586 = arith.extui %gt3A_585 : vector<512x3584xi1> to vector<512x3584xi32>
    %convert_element_type3A_587 = arith.sitofp %convert_element_type3A_586 : vector<512x3584xi32> to vector<512x3584xf32>
    %dot_general3A_588 = arith.constant dense<0.000000e+00> : vector<1x3584xf32>
    %dot_general3A_589 = tpu.matmul %while3A_523#0, %convert_element_type3A_587, %dot_general3A_588 {dimension_numbers = #tpu.dot_dimension_numbers<[1], [0], [0], [1], [0, 0, 1, 1], [], []>, transpose_lhs_hint = false} : vector<1x512xf32>, vector<512x3584xf32>, vector<1x3584xf32> -> vector<1x3584xf32>
    %slice3A_590 = vector.extract_strided_slice %dot_general3A_589 {offsets = [0, 0], sizes = [1, 512], strides = [1, 1]} : vector<1x3584xf32> to vector<1x512xf32>
    %eq3A_591 = arith.constant 0.000000e+00 : f32
    %eq3A_592 = vector.broadcast %eq3A_591 : f32 to vector<1x512xf32>
    %eq3A_593 = arith.cmpf oeq, %slice3A_590, %eq3A_592 : vector<1x512xf32>
    %jit3A_594 = arith.constant 0.000000e+00 : f32
    %broadcast_in_dim3A_595 = vector.broadcast %jit3A_594 : f32 to vector<1x512xf32>
    %select_n3A_596 = arith.select %eq3A_593, %select_n3A_411, %broadcast_in_dim3A_595 : vector<1x512xi1>, vector<1x512xf32>
    %slice3A_597 = vector.extract_strided_slice %dot_general3A_589 {offsets = [0, 512], sizes = [1, 512], strides = [1, 1]} : vector<1x3584xf32> to vector<1x512xf32>
    %eq3A_598 = arith.constant 0.000000e+00 : f32
    %eq3A_599 = vector.broadcast %eq3A_598 : f32 to vector<1x512xf32>
    %eq3A_600 = arith.cmpf oeq, %slice3A_597, %eq3A_599 : vector<1x512xf32>
    %jit3A_601 = arith.constant 0.000000e+00 : f32
    %broadcast_in_dim3A_602 = vector.broadcast %jit3A_601 : f32 to vector<1x512xf32>
    %select_n3A_603 = arith.select %eq3A_600, %select_n3A_418, %broadcast_in_dim3A_602 : vector<1x512xi1>, vector<1x512xf32>
    %slice3A_604 = vector.extract_strided_slice %dot_general3A_589 {offsets = [0, 1024], sizes = [1, 512], strides = [1, 1]} : vector<1x3584xf32> to vector<1x512xf32>
    %eq3A_605 = arith.constant 0.000000e+00 : f32
    %eq3A_606 = vector.broadcast %eq3A_605 : f32 to vector<1x512xf32>
    %eq3A_607 = arith.cmpf oeq, %slice3A_604, %eq3A_606 : vector<1x512xf32>
    %jit3A_608 = arith.constant 0.000000e+00 : f32
    %broadcast_in_dim3A_609 = vector.broadcast %jit3A_608 : f32 to vector<1x512xf32>
    %select_n3A_610 = arith.select %eq3A_607, %select_n3A_425, %broadcast_in_dim3A_609 : vector<1x512xi1>, vector<1x512xf32>
    %slice3A_611 = vector.extract_strided_slice %dot_general3A_589 {offsets = [0, 1536], sizes = [1, 512], strides = [1, 1]} : vector<1x3584xf32> to vector<1x512xf32>
    %eq3A_612 = arith.constant 0.000000e+00 : f32
    %eq3A_613 = vector.broadcast %eq3A_612 : f32 to vector<1x512xf32>
    %eq3A_614 = arith.cmpf oeq, %slice3A_611, %eq3A_613 : vector<1x512xf32>
    %jit3A_615 = arith.constant 0.000000e+00 : f32
    %broadcast_in_dim3A_616 = vector.broadcast %jit3A_615 : f32 to vector<1x512xf32>
    %select_n3A_617 = arith.select %eq3A_614, %select_n3A_432, %broadcast_in_dim3A_616 : vector<1x512xi1>, vector<1x512xf32>
    %slice3A_618 = vector.extract_strided_slice %dot_general3A_589 {offsets = [0, 2048], sizes = [1, 512], strides = [1, 1]} : vector<1x3584xf32> to vector<1x512xf32>
    %eq3A_619 = arith.constant 0.000000e+00 : f32
    %eq3A_620 = vector.broadcast %eq3A_619 : f32 to vector<1x512xf32>
    %eq3A_621 = arith.cmpf oeq, %slice3A_618, %eq3A_620 : vector<1x512xf32>
    %jit3A_622 = arith.constant 0.000000e+00 : f32
    %broadcast_in_dim3A_623 = vector.broadcast %jit3A_622 : f32 to vector<1x512xf32>
    %select_n3A_624 = arith.select %eq3A_621, %select_n3A_439, %broadcast_in_dim3A_623 : vector<1x512xi1>, vector<1x512xf32>
    %slice3A_625 = vector.extract_strided_slice %dot_general3A_589 {offsets = [0, 2560], sizes = [1, 512], strides = [1, 1]} : vector<1x3584xf32> to vector<1x512xf32>
    %eq3A_626 = arith.constant 0.000000e+00 : f32
    %eq3A_627 = vector.broadcast %eq3A_626 : f32 to vector<1x512xf32>
    %eq3A_628 = arith.cmpf oeq, %slice3A_625, %eq3A_627 : vector<1x512xf32>
    %jit3A_629 = arith.constant 0.000000e+00 : f32
    %broadcast_in_dim3A_630 = vector.broadcast %jit3A_629 : f32 to vector<1x512xf32>
    %select_n3A_631 = arith.select %eq3A_628, %select_n3A_446, %broadcast_in_dim3A_630 : vector<1x512xi1>, vector<1x512xf32>
    %slice3A_632 = vector.extract_strided_slice %dot_general3A_589 {offsets = [0, 3072], sizes = [1, 512], strides = [1, 1]} : vector<1x3584xf32> to vector<1x512xf32>
    %eq3A_633 = arith.constant 0.000000e+00 : f32
    %eq3A_634 = vector.broadcast %eq3A_633 : f32 to vector<1x512xf32>
    %eq3A_635 = arith.cmpf oeq, %slice3A_632, %eq3A_634 : vector<1x512xf32>
    %jit3A_636 = arith.constant 0.000000e+00 : f32
    %broadcast_in_dim3A_637 = vector.broadcast %jit3A_636 : f32 to vector<1x512xf32>
    %select_n3A_638 = arith.select %eq3A_635, %select_n3A_453, %broadcast_in_dim3A_637 : vector<1x512xi1>, vector<1x512xf32>
    %get3A_639 = arith.constant 1536 : index
    %get3A_640 = arith.constant 0 : index
    %get3A_641 = vector.load %arg0[%get3A_639, %get3A_640] : memref<5120x4xf32, #tpu.memory_space<vmem>>, vector<512x1xf32>
    %get3A_642 = arith.constant 1536 : index
    %get3A_643 = arith.constant 1 : index
    %get3A_644 = vector.load %arg0[%get3A_642, %get3A_643] : memref<5120x4xf32, #tpu.memory_space<vmem>>, vector<512x1xf32>
    %get3A_645 = arith.constant 1536 : index
    %get3A_646 = arith.constant 2 : index
    %get3A_647 = vector.load %arg0[%get3A_645, %get3A_646] : memref<5120x4xf32, #tpu.memory_space<vmem>>, vector<512x1xf32>
    %get3A_648 = arith.constant 1536 : index
    %get3A_649 = arith.constant 3 : index
    %get3A_650 = vector.load %arg0[%get3A_648, %get3A_649] : memref<5120x4xf32, #tpu.memory_space<vmem>>, vector<512x1xf32>
    %sub3A_651 = arith.subf %get3A_647, %get3A_641 : vector<512x1xf32>
    %sub3A_652 = arith.subf %get3A_650, %get3A_644 : vector<512x1xf32>
    %mul3A_653 = arith.mulf %sub3A_651, %sub3A_652 : vector<512x1xf32>
    %get3A_654 = arith.constant 0 : index
    %get3A_655 = arith.constant 1536 : index
    %get3A_656 = vector.load %arg1[%get3A_654, %get3A_655] : memref<4x5120xf32, #tpu.memory_space<vmem>>, vector<1x512xf32>
    %get3A_657 = arith.constant 1 : index
    %get3A_658 = arith.constant 1536 : index
    %get3A_659 = vector.load %arg1[%get3A_657, %get3A_658] : memref<4x5120xf32, #tpu.memory_space<vmem>>, vector<1x512xf32>
    %get3A_660 = arith.constant 2 : index
    %get3A_661 = arith.constant 1536 : index
    %get3A_662 = vector.load %arg1[%get3A_660, %get3A_661] : memref<4x5120xf32, #tpu.memory_space<vmem>>, vector<1x512xf32>
    %get3A_663 = arith.constant 3 : index
    %get3A_664 = arith.constant 1536 : index
    %get3A_665 = vector.load %arg1[%get3A_663, %get3A_664] : memref<4x5120xf32, #tpu.memory_space<vmem>>, vector<1x512xf32>
    %sub3A_666 = arith.subf %get3A_662, %get3A_656 : vector<1x512xf32>
    %sub3A_667 = arith.subf %get3A_665, %get3A_659 : vector<1x512xf32>
    %mul3A_668 = arith.mulf %sub3A_666, %sub3A_667 : vector<1x512xf32>
    %min3A_669 = vector.broadcast %get3A_647 : vector<512x1xf32> to vector<512x512xf32>
    %min3A_670 = vector.broadcast %get3A_662 : vector<1x512xf32> to vector<512x512xf32>
    %min3A_671 = arith.minimumf %min3A_669, %min3A_670 : vector<512x512xf32>
    %max3A_672 = vector.broadcast %get3A_641 : vector<512x1xf32> to vector<512x512xf32>
    %max3A_673 = vector.broadcast %get3A_656 : vector<1x512xf32> to vector<512x512xf32>
    %max3A_674 = arith.maximumf %max3A_672, %max3A_673 : vector<512x512xf32>
    %sub3A_675 = arith.subf %min3A_671, %max3A_674 : vector<512x512xf32>
    %jit3A_676 = arith.constant 0.000000e+00 : f32
    %max3A_677 = vector.broadcast %jit3A_676 : f32 to vector<512x512xf32>
    %max3A_678 = arith.maximumf %max3A_677, %sub3A_675 : vector<512x512xf32>
    %min3A_679 = vector.broadcast %get3A_650 : vector<512x1xf32> to vector<512x512xf32>
    %min3A_680 = vector.broadcast %get3A_665 : vector<1x512xf32> to vector<512x512xf32>
    %min3A_681 = arith.minimumf %min3A_679, %min3A_680 : vector<512x512xf32>
    %max3A_682 = vector.broadcast %get3A_644 : vector<512x1xf32> to vector<512x512xf32>
    %max3A_683 = vector.broadcast %get3A_659 : vector<1x512xf32> to vector<512x512xf32>
    %max3A_684 = arith.maximumf %max3A_682, %max3A_683 : vector<512x512xf32>
    %sub3A_685 = arith.subf %min3A_681, %max3A_684 : vector<512x512xf32>
    %jit3A_686 = arith.constant 0.000000e+00 : f32
    %max3A_687 = vector.broadcast %jit3A_686 : f32 to vector<512x512xf32>
    %max3A_688 = arith.maximumf %max3A_687, %sub3A_685 : vector<512x512xf32>
    %mul3A_689 = arith.mulf %max3A_678, %max3A_688 : vector<512x512xf32>
    %add3A_690 = vector.broadcast %mul3A_653 : vector<512x1xf32> to vector<512x512xf32>
    %add3A_691 = vector.broadcast %mul3A_668 : vector<1x512xf32> to vector<512x512xf32>
    %add3A_692 = arith.addf %add3A_690, %add3A_691 : vector<512x512xf32>
    %sub3A_693 = arith.subf %add3A_692, %mul3A_689 : vector<512x512xf32>
    %max3A_694 = arith.constant 9.99999993E-9 : f32
    %max3A_695 = vector.broadcast %max3A_694 : f32 to vector<512x512xf32>
    %max3A_696 = arith.maximumf %sub3A_693, %max3A_695 : vector<512x512xf32>
    %div3A_697 = arith.divf %mul3A_689, %max3A_696 : vector<512x512xf32>
    %gt3A_698 = arith.constant 5.000000e-01 : f32
    %gt3A_699 = vector.broadcast %gt3A_698 : f32 to vector<512x512xf32>
    %gt3A_700 = arith.cmpf ogt, %div3A_697, %gt3A_699 : vector<512x512xf32>
    %and3A_701 = arith.andi %gt3A_700, %lt3A : vector<512x512xi1>
    %convert_element_type3A_702 = arith.extui %and3A_701 : vector<512x512xi1> to vector<512x512xi32>
    %convert_element_type3A_703 = arith.sitofp %convert_element_type3A_702 : vector<512x512xi32> to vector<512x512xf32>
    %swap3A_704 = arith.constant 0 : index
    %swap3A_705 = arith.constant 0 : index
    %swap3A_706 = vector.load %arg6[%swap3A_704, %swap3A_705] : memref<512x512xf32, #tpu.memory_space<vmem>>, vector<512x512xf32>
    tpu.vector_store %arg6[%swap3A_704, %swap3A_705], %convert_element_type3A_703 {strides = array<i32>} : memref<512x512xf32, #tpu.memory_space<vmem>>, vector<512x512xf32>,
    %while3A_707 = arith.constant true
    %while3A_708:2 = scf.while (%while3A_1809 = %select_n3A_596, %while3A_1810 = %while3A_707) : (vector<1x512xf32>, i1) -> (vector<1x512xf32>, i1) {
      scf.condition(%while3A_1810) %while3A_1809, %while3A_1810 : vector<1x512xf32>, i1
    } do {
    ^bb0(%while3A_1809: vector<1x512xf32>, %while3A_1810: i1):
      %get3A_1811 = arith.constant 0 : index
      %get3A_1812 = arith.constant 0 : index
      %get3A_1813 = vector.load %arg6[%get3A_1811, %get3A_1812] : memref<512x512xf32, #tpu.memory_space<vmem>>, vector<512x512xf32>
      %dot_general3A_1814 = arith.constant dense<0.000000e+00> : vector<1x512xf32>
      %dot_general3A_1815 = tpu.matmul %while3A_1809, %get3A_1813, %dot_general3A_1814 {dimension_numbers = #tpu.dot_dimension_numbers<[1], [0], [0], [1], [0, 0, 1, 1], [], []>, transpose_lhs_hint = false} : vector<1x512xf32>, vector<512x512xf32>, vector<1x512xf32> -> vector<1x512xf32>
      %eq3A_1816 = arith.constant 0.000000e+00 : f32
      %eq3A_1817 = vector.broadcast %eq3A_1816 : f32 to vector<1x512xf32>
      %eq3A_1818 = arith.cmpf oeq, %dot_general3A_1815, %eq3A_1817 : vector<1x512xf32>
      %jit3A_1819 = arith.constant 0.000000e+00 : f32
      %broadcast_in_dim3A_1820 = vector.broadcast %jit3A_1819 : f32 to vector<1x512xf32>
      %select_n3A_1821 = arith.select %eq3A_1818, %select_n3A_596, %broadcast_in_dim3A_1820 : vector<1x512xi1>, vector<1x512xf32>
      %ne3A = arith.cmpf one, %select_n3A_1821, %while3A_1809 : vector<1x512xf32>
      %reduce_or3A = arith.constant 1.000000e+00 : f32
      %reduce_or3A_1822 = arith.constant 0.000000e+00 : f32
      %reduce_or3A_1823 = vector.broadcast %reduce_or3A : f32 to vector<1x512xf32>
      %reduce_or3A_1824 = vector.broadcast %reduce_or3A_1822 : f32 to vector<1x512xf32>
      %reduce_or3A_1825 = arith.select %ne3A, %reduce_or3A_1823, %reduce_or3A_1824 : vector<1x512xi1>, vector<1x512xf32>
      %reduce_or3A_1826 = vector.shape_cast %reduce_or3A_1825 : vector<1x512xf32> to vector<1x1x512xf32>
      %reduce_or3A_1827 = arith.constant dense<0xFF800000> : vector<1xf32>
      %reduce_or3A_1828 = vector.multi_reduction <maximumf>, %reduce_or3A_1826, %reduce_or3A_1827 [1, 2] : vector<1x1x512xf32> to vector<1xf32>
      %reduce_or3A_1829 = vector.shape_cast %reduce_or3A_1828 : vector<1xf32> to vector<1x1x1xf32>
      %reduce_or3A_1830 = vector.extract %reduce_or3A_1829[0, 0, 0] : f32 from vector<1x1x1xf32>
      %reduce_or3A_1831 = arith.constant 0.000000e+00 : f32
      %reduce_or3A_1832 = arith.cmpf ogt, %reduce_or3A_1830, %reduce_or3A_1831 : f32
      scf.yield %select_n3A_1821, %reduce_or3A_1832 : vector<1x512xf32>, i1
    }
    %get3A_709 = arith.constant 1536 : index
    %get3A_710 = arith.constant 0 : index
    %get3A_711 = vector.load %arg0[%get3A_709, %get3A_710] : memref<5120x4xf32, #tpu.memory_space<vmem>>, vector<512x1xf32>
    %get3A_712 = arith.constant 1536 : index
    %get3A_713 = arith.constant 1 : index
    %get3A_714 = vector.load %arg0[%get3A_712, %get3A_713] : memref<5120x4xf32, #tpu.memory_space<vmem>>, vector<512x1xf32>
    %get3A_715 = arith.constant 1536 : index
    %get3A_716 = arith.constant 2 : index
    %get3A_717 = vector.load %arg0[%get3A_715, %get3A_716] : memref<5120x4xf32, #tpu.memory_space<vmem>>, vector<512x1xf32>
    %get3A_718 = arith.constant 1536 : index
    %get3A_719 = arith.constant 3 : index
    %get3A_720 = vector.load %arg0[%get3A_718, %get3A_719] : memref<5120x4xf32, #tpu.memory_space<vmem>>, vector<512x1xf32>
    %sub3A_721 = arith.subf %get3A_717, %get3A_711 : vector<512x1xf32>
    %sub3A_722 = arith.subf %get3A_720, %get3A_714 : vector<512x1xf32>
    %mul3A_723 = arith.mulf %sub3A_721, %sub3A_722 : vector<512x1xf32>
    %get3A_724 = arith.constant 0 : index
    %get3A_725 = arith.constant 2048 : index
    %get3A_726 = vector.load %arg1[%get3A_724, %get3A_725] : memref<4x5120xf32, #tpu.memory_space<vmem>>, vector<1x3072xf32>
    %get3A_727 = arith.constant 1 : index
    %get3A_728 = arith.constant 2048 : index
    %get3A_729 = vector.load %arg1[%get3A_727, %get3A_728] : memref<4x5120xf32, #tpu.memory_space<vmem>>, vector<1x3072xf32>
    %get3A_730 = arith.constant 2 : index
    %get3A_731 = arith.constant 2048 : index
    %get3A_732 = vector.load %arg1[%get3A_730, %get3A_731] : memref<4x5120xf32, #tpu.memory_space<vmem>>, vector<1x3072xf32>
    %get3A_733 = arith.constant 3 : index
    %get3A_734 = arith.constant 2048 : index
    %get3A_735 = vector.load %arg1[%get3A_733, %get3A_734] : memref<4x5120xf32, #tpu.memory_space<vmem>>, vector<1x3072xf32>
    %sub3A_736 = arith.subf %get3A_732, %get3A_726 : vector<1x3072xf32>
    %sub3A_737 = arith.subf %get3A_735, %get3A_729 : vector<1x3072xf32>
    %mul3A_738 = arith.mulf %sub3A_736, %sub3A_737 : vector<1x3072xf32>
    %min3A_739 = vector.broadcast %get3A_717 : vector<512x1xf32> to vector<512x3072xf32>
    %min3A_740 = vector.broadcast %get3A_732 : vector<1x3072xf32> to vector<512x3072xf32>
    %min3A_741 = arith.minimumf %min3A_739, %min3A_740 : vector<512x3072xf32>
    %max3A_742 = vector.broadcast %get3A_711 : vector<512x1xf32> to vector<512x3072xf32>
    %max3A_743 = vector.broadcast %get3A_726 : vector<1x3072xf32> to vector<512x3072xf32>
    %max3A_744 = arith.maximumf %max3A_742, %max3A_743 : vector<512x3072xf32>
    %sub3A_745 = arith.subf %min3A_741, %max3A_744 : vector<512x3072xf32>
    %jit3A_746 = arith.constant 0.000000e+00 : f32
    %max3A_747 = vector.broadcast %jit3A_746 : f32 to vector<512x3072xf32>
    %max3A_748 = arith.maximumf %max3A_747, %sub3A_745 : vector<512x3072xf32>
    %min3A_749 = vector.broadcast %get3A_720 : vector<512x1xf32> to vector<512x3072xf32>
    %min3A_750 = vector.broadcast %get3A_735 : vector<1x3072xf32> to vector<512x3072xf32>
    %min3A_751 = arith.minimumf %min3A_749, %min3A_750 : vector<512x3072xf32>
    %max3A_752 = vector.broadcast %get3A_714 : vector<512x1xf32> to vector<512x3072xf32>
    %max3A_753 = vector.broadcast %get3A_729 : vector<1x3072xf32> to vector<512x3072xf32>
    %max3A_754 = arith.maximumf %max3A_752, %max3A_753 : vector<512x3072xf32>
    %sub3A_755 = arith.subf %min3A_751, %max3A_754 : vector<512x3072xf32>
    %jit3A_756 = arith.constant 0.000000e+00 : f32
    %max3A_757 = vector.broadcast %jit3A_756 : f32 to vector<512x3072xf32>
    %max3A_758 = arith.maximumf %max3A_757, %sub3A_755 : vector<512x3072xf32>
    %mul3A_759 = arith.mulf %max3A_748, %max3A_758 : vector<512x3072xf32>
    %add3A_760 = vector.broadcast %mul3A_723 : vector<512x1xf32> to vector<512x3072xf32>
    %add3A_761 = vector.broadcast %mul3A_738 : vector<1x3072xf32> to vector<512x3072xf32>
    %add3A_762 = arith.addf %add3A_760, %add3A_761 : vector<512x3072xf32>
    %sub3A_763 = arith.subf %add3A_762, %mul3A_759 : vector<512x3072xf32>
    %max3A_764 = arith.constant 9.99999993E-9 : f32
    %max3A_765 = vector.broadcast %max3A_764 : f32 to vector<512x3072xf32>
    %max3A_766 = arith.maximumf %sub3A_763, %max3A_765 : vector<512x3072xf32>
    %div3A_767 = arith.divf %mul3A_759, %max3A_766 : vector<512x3072xf32>
    %gt3A_768 = arith.constant 5.000000e-01 : f32
    %gt3A_769 = vector.broadcast %gt3A_768 : f32 to vector<512x3072xf32>
    %gt3A_770 = arith.cmpf ogt, %div3A_767, %gt3A_769 : vector<512x3072xf32>
    %convert_element_type3A_771 = arith.extui %gt3A_770 : vector<512x3072xi1> to vector<512x3072xi32>
    %convert_element_type3A_772 = arith.sitofp %convert_element_type3A_771 : vector<512x3072xi32> to vector<512x3072xf32>
    %dot_general3A_773 = arith.constant dense<0.000000e+00> : vector<1x3072xf32>
    %dot_general3A_774 = tpu.matmul %while3A_708#0, %convert_element_type3A_772, %dot_general3A_773 {dimension_numbers = #tpu.dot_dimension_numbers<[1], [0], [0], [1], [0, 0, 1, 1], [], []>, transpose_lhs_hint = false} : vector<1x512xf32>, vector<512x3072xf32>, vector<1x3072xf32> -> vector<1x3072xf32>
    %slice3A_775 = vector.extract_strided_slice %dot_general3A_774 {offsets = [0, 0], sizes = [1, 512], strides = [1, 1]} : vector<1x3072xf32> to vector<1x512xf32>
    %eq3A_776 = arith.constant 0.000000e+00 : f32
    %eq3A_777 = vector.broadcast %eq3A_776 : f32 to vector<1x512xf32>
    %eq3A_778 = arith.cmpf oeq, %slice3A_775, %eq3A_777 : vector<1x512xf32>
    %jit3A_779 = arith.constant 0.000000e+00 : f32
    %broadcast_in_dim3A_780 = vector.broadcast %jit3A_779 : f32 to vector<1x512xf32>
    %select_n3A_781 = arith.select %eq3A_778, %select_n3A_603, %broadcast_in_dim3A_780 : vector<1x512xi1>, vector<1x512xf32>
    %slice3A_782 = vector.extract_strided_slice %dot_general3A_774 {offsets = [0, 512], sizes = [1, 512], strides = [1, 1]} : vector<1x3072xf32> to vector<1x512xf32>
    %eq3A_783 = arith.constant 0.000000e+00 : f32
    %eq3A_784 = vector.broadcast %eq3A_783 : f32 to vector<1x512xf32>
    %eq3A_785 = arith.cmpf oeq, %slice3A_782, %eq3A_784 : vector<1x512xf32>
    %jit3A_786 = arith.constant 0.000000e+00 : f32
    %broadcast_in_dim3A_787 = vector.broadcast %jit3A_786 : f32 to vector<1x512xf32>
    %select_n3A_788 = arith.select %eq3A_785, %select_n3A_610, %broadcast_in_dim3A_787 : vector<1x512xi1>, vector<1x512xf32>
    %slice3A_789 = vector.extract_strided_slice %dot_general3A_774 {offsets = [0, 1024], sizes = [1, 512], strides = [1, 1]} : vector<1x3072xf32> to vector<1x512xf32>
    %eq3A_790 = arith.constant 0.000000e+00 : f32
    %eq3A_791 = vector.broadcast %eq3A_790 : f32 to vector<1x512xf32>
    %eq3A_792 = arith.cmpf oeq, %slice3A_789, %eq3A_791 : vector<1x512xf32>
    %jit3A_793 = arith.constant 0.000000e+00 : f32
    %broadcast_in_dim3A_794 = vector.broadcast %jit3A_793 : f32 to vector<1x512xf32>
    %select_n3A_795 = arith.select %eq3A_792, %select_n3A_617, %broadcast_in_dim3A_794 : vector<1x512xi1>, vector<1x512xf32>
    %slice3A_796 = vector.extract_strided_slice %dot_general3A_774 {offsets = [0, 1536], sizes = [1, 512], strides = [1, 1]} : vector<1x3072xf32> to vector<1x512xf32>
    %eq3A_797 = arith.constant 0.000000e+00 : f32
    %eq3A_798 = vector.broadcast %eq3A_797 : f32 to vector<1x512xf32>
    %eq3A_799 = arith.cmpf oeq, %slice3A_796, %eq3A_798 : vector<1x512xf32>
    %jit3A_800 = arith.constant 0.000000e+00 : f32
    %broadcast_in_dim3A_801 = vector.broadcast %jit3A_800 : f32 to vector<1x512xf32>
    %select_n3A_802 = arith.select %eq3A_799, %select_n3A_624, %broadcast_in_dim3A_801 : vector<1x512xi1>, vector<1x512xf32>
    %slice3A_803 = vector.extract_strided_slice %dot_general3A_774 {offsets = [0, 2048], sizes = [1, 512], strides = [1, 1]} : vector<1x3072xf32> to vector<1x512xf32>
    %eq3A_804 = arith.constant 0.000000e+00 : f32
    %eq3A_805 = vector.broadcast %eq3A_804 : f32 to vector<1x512xf32>
    %eq3A_806 = arith.cmpf oeq, %slice3A_803, %eq3A_805 : vector<1x512xf32>
    %jit3A_807 = arith.constant 0.000000e+00 : f32
    %broadcast_in_dim3A_808 = vector.broadcast %jit3A_807 : f32 to vector<1x512xf32>
    %select_n3A_809 = arith.select %eq3A_806, %select_n3A_631, %broadcast_in_dim3A_808 : vector<1x512xi1>, vector<1x512xf32>
    %slice3A_810 = vector.extract_strided_slice %dot_general3A_774 {offsets = [0, 2560], sizes = [1, 512], strides = [1, 1]} : vector<1x3072xf32> to vector<1x512xf32>
    %eq3A_811 = arith.constant 0.000000e+00 : f32
    %eq3A_812 = vector.broadcast %eq3A_811 : f32 to vector<1x512xf32>
    %eq3A_813 = arith.cmpf oeq, %slice3A_810, %eq3A_812 : vector<1x512xf32>
    %jit3A_814 = arith.constant 0.000000e+00 : f32
    %broadcast_in_dim3A_815 = vector.broadcast %jit3A_814 : f32 to vector<1x512xf32>
    %select_n3A_816 = arith.select %eq3A_813, %select_n3A_638, %broadcast_in_dim3A_815 : vector<1x512xi1>, vector<1x512xf32>
    %get3A_817 = arith.constant 2048 : index
    %get3A_818 = arith.constant 0 : index
    %get3A_819 = vector.load %arg0[%get3A_817, %get3A_818] : memref<5120x4xf32, #tpu.memory_space<vmem>>, vector<512x1xf32>
    %get3A_820 = arith.constant 2048 : index
    %get3A_821 = arith.constant 1 : index
    %get3A_822 = vector.load %arg0[%get3A_820, %get3A_821] : memref<5120x4xf32, #tpu.memory_space<vmem>>, vector<512x1xf32>
    %get3A_823 = arith.constant 2048 : index
    %get3A_824 = arith.constant 2 : index
    %get3A_825 = vector.load %arg0[%get3A_823, %get3A_824] : memref<5120x4xf32, #tpu.memory_space<vmem>>, vector<512x1xf32>
    %get3A_826 = arith.constant 2048 : index
    %get3A_827 = arith.constant 3 : index
    %get3A_828 = vector.load %arg0[%get3A_826, %get3A_827] : memref<5120x4xf32, #tpu.memory_space<vmem>>, vector<512x1xf32>
    %sub3A_829 = arith.subf %get3A_825, %get3A_819 : vector<512x1xf32>
    %sub3A_830 = arith.subf %get3A_828, %get3A_822 : vector<512x1xf32>
    %mul3A_831 = arith.mulf %sub3A_829, %sub3A_830 : vector<512x1xf32>
    %get3A_832 = arith.constant 0 : index
    %get3A_833 = arith.constant 2048 : index
    %get3A_834 = vector.load %arg1[%get3A_832, %get3A_833] : memref<4x5120xf32, #tpu.memory_space<vmem>>, vector<1x512xf32>
    %get3A_835 = arith.constant 1 : index
    %get3A_836 = arith.constant 2048 : index
    %get3A_837 = vector.load %arg1[%get3A_835, %get3A_836] : memref<4x5120xf32, #tpu.memory_space<vmem>>, vector<1x512xf32>
    %get3A_838 = arith.constant 2 : index
    %get3A_839 = arith.constant 2048 : index
    %get3A_840 = vector.load %arg1[%get3A_838, %get3A_839] : memref<4x5120xf32, #tpu.memory_space<vmem>>, vector<1x512xf32>
    %get3A_841 = arith.constant 3 : index
    %get3A_842 = arith.constant 2048 : index
    %get3A_843 = vector.load %arg1[%get3A_841, %get3A_842] : memref<4x5120xf32, #tpu.memory_space<vmem>>, vector<1x512xf32>
    %sub3A_844 = arith.subf %get3A_840, %get3A_834 : vector<1x512xf32>
    %sub3A_845 = arith.subf %get3A_843, %get3A_837 : vector<1x512xf32>
    %mul3A_846 = arith.mulf %sub3A_844, %sub3A_845 : vector<1x512xf32>
    %min3A_847 = vector.broadcast %get3A_825 : vector<512x1xf32> to vector<512x512xf32>
    %min3A_848 = vector.broadcast %get3A_840 : vector<1x512xf32> to vector<512x512xf32>
    %min3A_849 = arith.minimumf %min3A_847, %min3A_848 : vector<512x512xf32>
    %max3A_850 = vector.broadcast %get3A_819 : vector<512x1xf32> to vector<512x512xf32>
    %max3A_851 = vector.broadcast %get3A_834 : vector<1x512xf32> to vector<512x512xf32>
    %max3A_852 = arith.maximumf %max3A_850, %max3A_851 : vector<512x512xf32>
    %sub3A_853 = arith.subf %min3A_849, %max3A_852 : vector<512x512xf32>
    %jit3A_854 = arith.constant 0.000000e+00 : f32
    %max3A_855 = vector.broadcast %jit3A_854 : f32 to vector<512x512xf32>
    %max3A_856 = arith.maximumf %max3A_855, %sub3A_853 : vector<512x512xf32>
    %min3A_857 = vector.broadcast %get3A_828 : vector<512x1xf32> to vector<512x512xf32>
    %min3A_858 = vector.broadcast %get3A_843 : vector<1x512xf32> to vector<512x512xf32>
    %min3A_859 = arith.minimumf %min3A_857, %min3A_858 : vector<512x512xf32>
    %max3A_860 = vector.broadcast %get3A_822 : vector<512x1xf32> to vector<512x512xf32>
    %max3A_861 = vector.broadcast %get3A_837 : vector<1x512xf32> to vector<512x512xf32>
    %max3A_862 = arith.maximumf %max3A_860, %max3A_861 : vector<512x512xf32>
    %sub3A_863 = arith.subf %min3A_859, %max3A_862 : vector<512x512xf32>
    %jit3A_864 = arith.constant 0.000000e+00 : f32
    %max3A_865 = vector.broadcast %jit3A_864 : f32 to vector<512x512xf32>
    %max3A_866 = arith.maximumf %max3A_865, %sub3A_863 : vector<512x512xf32>
    %mul3A_867 = arith.mulf %max3A_856, %max3A_866 : vector<512x512xf32>
    %add3A_868 = vector.broadcast %mul3A_831 : vector<512x1xf32> to vector<512x512xf32>
    %add3A_869 = vector.broadcast %mul3A_846 : vector<1x512xf32> to vector<512x512xf32>
    %add3A_870 = arith.addf %add3A_868, %add3A_869 : vector<512x512xf32>
    %sub3A_871 = arith.subf %add3A_870, %mul3A_867 : vector<512x512xf32>
    %max3A_872 = arith.constant 9.99999993E-9 : f32
    %max3A_873 = vector.broadcast %max3A_872 : f32 to vector<512x512xf32>
    %max3A_874 = arith.maximumf %sub3A_871, %max3A_873 : vector<512x512xf32>
    %div3A_875 = arith.divf %mul3A_867, %max3A_874 : vector<512x512xf32>
    %gt3A_876 = arith.constant 5.000000e-01 : f32
    %gt3A_877 = vector.broadcast %gt3A_876 : f32 to vector<512x512xf32>
    %gt3A_878 = arith.cmpf ogt, %div3A_875, %gt3A_877 : vector<512x512xf32>
    %and3A_879 = arith.andi %gt3A_878, %lt3A : vector<512x512xi1>
    %convert_element_type3A_880 = arith.extui %and3A_879 : vector<512x512xi1> to vector<512x512xi32>
    %convert_element_type3A_881 = arith.sitofp %convert_element_type3A_880 : vector<512x512xi32> to vector<512x512xf32>
    %swap3A_882 = arith.constant 0 : index
    %swap3A_883 = arith.constant 0 : index
    %swap3A_884 = vector.load %arg6[%swap3A_882, %swap3A_883] : memref<512x512xf32, #tpu.memory_space<vmem>>, vector<512x512xf32>
    tpu.vector_store %arg6[%swap3A_882, %swap3A_883], %convert_element_type3A_881 {strides = array<i32>} : memref<512x512xf32, #tpu.memory_space<vmem>>, vector<512x512xf32>,
    %while3A_885 = arith.constant true
    %while3A_886:2 = scf.while (%while3A_1809 = %select_n3A_781, %while3A_1810 = %while3A_885) : (vector<1x512xf32>, i1) -> (vector<1x512xf32>, i1) {
      scf.condition(%while3A_1810) %while3A_1809, %while3A_1810 : vector<1x512xf32>, i1
    } do {
    ^bb0(%while3A_1809: vector<1x512xf32>, %while3A_1810: i1):
      %get3A_1811 = arith.constant 0 : index
      %get3A_1812 = arith.constant 0 : index
      %get3A_1813 = vector.load %arg6[%get3A_1811, %get3A_1812] : memref<512x512xf32, #tpu.memory_space<vmem>>, vector<512x512xf32>
      %dot_general3A_1814 = arith.constant dense<0.000000e+00> : vector<1x512xf32>
      %dot_general3A_1815 = tpu.matmul %while3A_1809, %get3A_1813, %dot_general3A_1814 {dimension_numbers = #tpu.dot_dimension_numbers<[1], [0], [0], [1], [0, 0, 1, 1], [], []>, transpose_lhs_hint = false} : vector<1x512xf32>, vector<512x512xf32>, vector<1x512xf32> -> vector<1x512xf32>
      %eq3A_1816 = arith.constant 0.000000e+00 : f32
      %eq3A_1817 = vector.broadcast %eq3A_1816 : f32 to vector<1x512xf32>
      %eq3A_1818 = arith.cmpf oeq, %dot_general3A_1815, %eq3A_1817 : vector<1x512xf32>
      %jit3A_1819 = arith.constant 0.000000e+00 : f32
      %broadcast_in_dim3A_1820 = vector.broadcast %jit3A_1819 : f32 to vector<1x512xf32>
      %select_n3A_1821 = arith.select %eq3A_1818, %select_n3A_781, %broadcast_in_dim3A_1820 : vector<1x512xi1>, vector<1x512xf32>
      %ne3A = arith.cmpf one, %select_n3A_1821, %while3A_1809 : vector<1x512xf32>
      %reduce_or3A = arith.constant 1.000000e+00 : f32
      %reduce_or3A_1822 = arith.constant 0.000000e+00 : f32
      %reduce_or3A_1823 = vector.broadcast %reduce_or3A : f32 to vector<1x512xf32>
      %reduce_or3A_1824 = vector.broadcast %reduce_or3A_1822 : f32 to vector<1x512xf32>
      %reduce_or3A_1825 = arith.select %ne3A, %reduce_or3A_1823, %reduce_or3A_1824 : vector<1x512xi1>, vector<1x512xf32>
      %reduce_or3A_1826 = vector.shape_cast %reduce_or3A_1825 : vector<1x512xf32> to vector<1x1x512xf32>
      %reduce_or3A_1827 = arith.constant dense<0xFF800000> : vector<1xf32>
      %reduce_or3A_1828 = vector.multi_reduction <maximumf>, %reduce_or3A_1826, %reduce_or3A_1827 [1, 2] : vector<1x1x512xf32> to vector<1xf32>
      %reduce_or3A_1829 = vector.shape_cast %reduce_or3A_1828 : vector<1xf32> to vector<1x1x1xf32>
      %reduce_or3A_1830 = vector.extract %reduce_or3A_1829[0, 0, 0] : f32 from vector<1x1x1xf32>
      %reduce_or3A_1831 = arith.constant 0.000000e+00 : f32
      %reduce_or3A_1832 = arith.cmpf ogt, %reduce_or3A_1830, %reduce_or3A_1831 : f32
      scf.yield %select_n3A_1821, %reduce_or3A_1832 : vector<1x512xf32>, i1
    }
    %get3A_887 = arith.constant 2048 : index
    %get3A_888 = arith.constant 0 : index
    %get3A_889 = vector.load %arg0[%get3A_887, %get3A_888] : memref<5120x4xf32, #tpu.memory_space<vmem>>, vector<512x1xf32>
    %get3A_890 = arith.constant 2048 : index
    %get3A_891 = arith.constant 1 : index
    %get3A_892 = vector.load %arg0[%get3A_890, %get3A_891] : memref<5120x4xf32, #tpu.memory_space<vmem>>, vector<512x1xf32>
    %get3A_893 = arith.constant 2048 : index
    %get3A_894 = arith.constant 2 : index
    %get3A_895 = vector.load %arg0[%get3A_893, %get3A_894] : memref<5120x4xf32, #tpu.memory_space<vmem>>, vector<512x1xf32>
    %get3A_896 = arith.constant 2048 : index
    %get3A_897 = arith.constant 3 : index
    %get3A_898 = vector.load %arg0[%get3A_896, %get3A_897] : memref<5120x4xf32, #tpu.memory_space<vmem>>, vector<512x1xf32>
    %sub3A_899 = arith.subf %get3A_895, %get3A_889 : vector<512x1xf32>
    %sub3A_900 = arith.subf %get3A_898, %get3A_892 : vector<512x1xf32>
    %mul3A_901 = arith.mulf %sub3A_899, %sub3A_900 : vector<512x1xf32>
    %get3A_902 = arith.constant 0 : index
    %get3A_903 = arith.constant 2560 : index
    %get3A_904 = vector.load %arg1[%get3A_902, %get3A_903] : memref<4x5120xf32, #tpu.memory_space<vmem>>, vector<1x2560xf32>
    %get3A_905 = arith.constant 1 : index
    %get3A_906 = arith.constant 2560 : index
    %get3A_907 = vector.load %arg1[%get3A_905, %get3A_906] : memref<4x5120xf32, #tpu.memory_space<vmem>>, vector<1x2560xf32>
    %get3A_908 = arith.constant 2 : index
    %get3A_909 = arith.constant 2560 : index
    %get3A_910 = vector.load %arg1[%get3A_908, %get3A_909] : memref<4x5120xf32, #tpu.memory_space<vmem>>, vector<1x2560xf32>
    %get3A_911 = arith.constant 3 : index
    %get3A_912 = arith.constant 2560 : index
    %get3A_913 = vector.load %arg1[%get3A_911, %get3A_912] : memref<4x5120xf32, #tpu.memory_space<vmem>>, vector<1x2560xf32>
    %sub3A_914 = arith.subf %get3A_910, %get3A_904 : vector<1x2560xf32>
    %sub3A_915 = arith.subf %get3A_913, %get3A_907 : vector<1x2560xf32>
    %mul3A_916 = arith.mulf %sub3A_914, %sub3A_915 : vector<1x2560xf32>
    %min3A_917 = vector.broadcast %get3A_895 : vector<512x1xf32> to vector<512x2560xf32>
    %min3A_918 = vector.broadcast %get3A_910 : vector<1x2560xf32> to vector<512x2560xf32>
    %min3A_919 = arith.minimumf %min3A_917, %min3A_918 : vector<512x2560xf32>
    %max3A_920 = vector.broadcast %get3A_889 : vector<512x1xf32> to vector<512x2560xf32>
    %max3A_921 = vector.broadcast %get3A_904 : vector<1x2560xf32> to vector<512x2560xf32>
    %max3A_922 = arith.maximumf %max3A_920, %max3A_921 : vector<512x2560xf32>
    %sub3A_923 = arith.subf %min3A_919, %max3A_922 : vector<512x2560xf32>
    %jit3A_924 = arith.constant 0.000000e+00 : f32
    %max3A_925 = vector.broadcast %jit3A_924 : f32 to vector<512x2560xf32>
    %max3A_926 = arith.maximumf %max3A_925, %sub3A_923 : vector<512x2560xf32>
    %min3A_927 = vector.broadcast %get3A_898 : vector<512x1xf32> to vector<512x2560xf32>
    %min3A_928 = vector.broadcast %get3A_913 : vector<1x2560xf32> to vector<512x2560xf32>
    %min3A_929 = arith.minimumf %min3A_927, %min3A_928 : vector<512x2560xf32>
    %max3A_930 = vector.broadcast %get3A_892 : vector<512x1xf32> to vector<512x2560xf32>
    %max3A_931 = vector.broadcast %get3A_907 : vector<1x2560xf32> to vector<512x2560xf32>
    %max3A_932 = arith.maximumf %max3A_930, %max3A_931 : vector<512x2560xf32>
    %sub3A_933 = arith.subf %min3A_929, %max3A_932 : vector<512x2560xf32>
    %jit3A_934 = arith.constant 0.000000e+00 : f32
    %max3A_935 = vector.broadcast %jit3A_934 : f32 to vector<512x2560xf32>
    %max3A_936 = arith.maximumf %max3A_935, %sub3A_933 : vector<512x2560xf32>
    %mul3A_937 = arith.mulf %max3A_926, %max3A_936 : vector<512x2560xf32>
    %add3A_938 = vector.broadcast %mul3A_901 : vector<512x1xf32> to vector<512x2560xf32>
    %add3A_939 = vector.broadcast %mul3A_916 : vector<1x2560xf32> to vector<512x2560xf32>
    %add3A_940 = arith.addf %add3A_938, %add3A_939 : vector<512x2560xf32>
    %sub3A_941 = arith.subf %add3A_940, %mul3A_937 : vector<512x2560xf32>
    %max3A_942 = arith.constant 9.99999993E-9 : f32
    %max3A_943 = vector.broadcast %max3A_942 : f32 to vector<512x2560xf32>
    %max3A_944 = arith.maximumf %sub3A_941, %max3A_943 : vector<512x2560xf32>
    %div3A_945 = arith.divf %mul3A_937, %max3A_944 : vector<512x2560xf32>
    %gt3A_946 = arith.constant 5.000000e-01 : f32
    %gt3A_947 = vector.broadcast %gt3A_946 : f32 to vector<512x2560xf32>
    %gt3A_948 = arith.cmpf ogt, %div3A_945, %gt3A_947 : vector<512x2560xf32>
    %convert_element_type3A_949 = arith.extui %gt3A_948 : vector<512x2560xi1> to vector<512x2560xi32>
    %convert_element_type3A_950 = arith.sitofp %convert_element_type3A_949 : vector<512x2560xi32> to vector<512x2560xf32>
    %dot_general3A_951 = arith.constant dense<0.000000e+00> : vector<1x2560xf32>
    %dot_general3A_952 = tpu.matmul %while3A_886#0, %convert_element_type3A_950, %dot_general3A_951 {dimension_numbers = #tpu.dot_dimension_numbers<[1], [0], [0], [1], [0, 0, 1, 1], [], []>, transpose_lhs_hint = false} : vector<1x512xf32>, vector<512x2560xf32>, vector<1x2560xf32> -> vector<1x2560xf32>
    %slice3A_953 = vector.extract_strided_slice %dot_general3A_952 {offsets = [0, 0], sizes = [1, 512], strides = [1, 1]} : vector<1x2560xf32> to vector<1x512xf32>
    %eq3A_954 = arith.constant 0.000000e+00 : f32
    %eq3A_955 = vector.broadcast %eq3A_954 : f32 to vector<1x512xf32>
    %eq3A_956 = arith.cmpf oeq, %slice3A_953, %eq3A_955 : vector<1x512xf32>
    %jit3A_957 = arith.constant 0.000000e+00 : f32
    %broadcast_in_dim3A_958 = vector.broadcast %jit3A_957 : f32 to vector<1x512xf32>
    %select_n3A_959 = arith.select %eq3A_956, %select_n3A_788, %broadcast_in_dim3A_958 : vector<1x512xi1>, vector<1x512xf32>
    %slice3A_960 = vector.extract_strided_slice %dot_general3A_952 {offsets = [0, 512], sizes = [1, 512], strides = [1, 1]} : vector<1x2560xf32> to vector<1x512xf32>
    %eq3A_961 = arith.constant 0.000000e+00 : f32
    %eq3A_962 = vector.broadcast %eq3A_961 : f32 to vector<1x512xf32>
    %eq3A_963 = arith.cmpf oeq, %slice3A_960, %eq3A_962 : vector<1x512xf32>
    %jit3A_964 = arith.constant 0.000000e+00 : f32
    %broadcast_in_dim3A_965 = vector.broadcast %jit3A_964 : f32 to vector<1x512xf32>
    %select_n3A_966 = arith.select %eq3A_963, %select_n3A_795, %broadcast_in_dim3A_965 : vector<1x512xi1>, vector<1x512xf32>
    %slice3A_967 = vector.extract_strided_slice %dot_general3A_952 {offsets = [0, 1024], sizes = [1, 512], strides = [1, 1]} : vector<1x2560xf32> to vector<1x512xf32>
    %eq3A_968 = arith.constant 0.000000e+00 : f32
    %eq3A_969 = vector.broadcast %eq3A_968 : f32 to vector<1x512xf32>
    %eq3A_970 = arith.cmpf oeq, %slice3A_967, %eq3A_969 : vector<1x512xf32>
    %jit3A_971 = arith.constant 0.000000e+00 : f32
    %broadcast_in_dim3A_972 = vector.broadcast %jit3A_971 : f32 to vector<1x512xf32>
    %select_n3A_973 = arith.select %eq3A_970, %select_n3A_802, %broadcast_in_dim3A_972 : vector<1x512xi1>, vector<1x512xf32>
    %slice3A_974 = vector.extract_strided_slice %dot_general3A_952 {offsets = [0, 1536], sizes = [1, 512], strides = [1, 1]} : vector<1x2560xf32> to vector<1x512xf32>
    %eq3A_975 = arith.constant 0.000000e+00 : f32
    %eq3A_976 = vector.broadcast %eq3A_975 : f32 to vector<1x512xf32>
    %eq3A_977 = arith.cmpf oeq, %slice3A_974, %eq3A_976 : vector<1x512xf32>
    %jit3A_978 = arith.constant 0.000000e+00 : f32
    %broadcast_in_dim3A_979 = vector.broadcast %jit3A_978 : f32 to vector<1x512xf32>
    %select_n3A_980 = arith.select %eq3A_977, %select_n3A_809, %broadcast_in_dim3A_979 : vector<1x512xi1>, vector<1x512xf32>
    %slice3A_981 = vector.extract_strided_slice %dot_general3A_952 {offsets = [0, 2048], sizes = [1, 512], strides = [1, 1]} : vector<1x2560xf32> to vector<1x512xf32>
    %eq3A_982 = arith.constant 0.000000e+00 : f32
    %eq3A_983 = vector.broadcast %eq3A_982 : f32 to vector<1x512xf32>
    %eq3A_984 = arith.cmpf oeq, %slice3A_981, %eq3A_983 : vector<1x512xf32>
    %jit3A_985 = arith.constant 0.000000e+00 : f32
    %broadcast_in_dim3A_986 = vector.broadcast %jit3A_985 : f32 to vector<1x512xf32>
    %select_n3A_987 = arith.select %eq3A_984, %select_n3A_816, %broadcast_in_dim3A_986 : vector<1x512xi1>, vector<1x512xf32>
    %get3A_988 = arith.constant 2560 : index
    %get3A_989 = arith.constant 0 : index
    %get3A_990 = vector.load %arg0[%get3A_988, %get3A_989] : memref<5120x4xf32, #tpu.memory_space<vmem>>, vector<512x1xf32>
    %get3A_991 = arith.constant 2560 : index
    %get3A_992 = arith.constant 1 : index
    %get3A_993 = vector.load %arg0[%get3A_991, %get3A_992] : memref<5120x4xf32, #tpu.memory_space<vmem>>, vector<512x1xf32>
    %get3A_994 = arith.constant 2560 : index
    %get3A_995 = arith.constant 2 : index
    %get3A_996 = vector.load %arg0[%get3A_994, %get3A_995] : memref<5120x4xf32, #tpu.memory_space<vmem>>, vector<512x1xf32>
    %get3A_997 = arith.constant 2560 : index
    %get3A_998 = arith.constant 3 : index
    %get3A_999 = vector.load %arg0[%get3A_997, %get3A_998] : memref<5120x4xf32, #tpu.memory_space<vmem>>, vector<512x1xf32>
    %sub3A_1000 = arith.subf %get3A_996, %get3A_990 : vector<512x1xf32>
    %sub3A_1001 = arith.subf %get3A_999, %get3A_993 : vector<512x1xf32>
    %mul3A_1002 = arith.mulf %sub3A_1000, %sub3A_1001 : vector<512x1xf32>
    %get3A_1003 = arith.constant 0 : index
    %get3A_1004 = arith.constant 2560 : index
    %get3A_1005 = vector.load %arg1[%get3A_1003, %get3A_1004] : memref<4x5120xf32, #tpu.memory_space<vmem>>, vector<1x512xf32>
    %get3A_1006 = arith.constant 1 : index
    %get3A_1007 = arith.constant 2560 : index
    %get3A_1008 = vector.load %arg1[%get3A_1006, %get3A_1007] : memref<4x5120xf32, #tpu.memory_space<vmem>>, vector<1x512xf32>
    %get3A_1009 = arith.constant 2 : index
    %get3A_1010 = arith.constant 2560 : index
    %get3A_1011 = vector.load %arg1[%get3A_1009, %get3A_1010] : memref<4x5120xf32, #tpu.memory_space<vmem>>, vector<1x512xf32>
    %get3A_1012 = arith.constant 3 : index
    %get3A_1013 = arith.constant 2560 : index
    %get3A_1014 = vector.load %arg1[%get3A_1012, %get3A_1013] : memref<4x5120xf32, #tpu.memory_space<vmem>>, vector<1x512xf32>
    %sub3A_1015 = arith.subf %get3A_1011, %get3A_1005 : vector<1x512xf32>
    %sub3A_1016 = arith.subf %get3A_1014, %get3A_1008 : vector<1x512xf32>
    %mul3A_1017 = arith.mulf %sub3A_1015, %sub3A_1016 : vector<1x512xf32>
    %min3A_1018 = vector.broadcast %get3A_996 : vector<512x1xf32> to vector<512x512xf32>
    %min3A_1019 = vector.broadcast %get3A_1011 : vector<1x512xf32> to vector<512x512xf32>
    %min3A_1020 = arith.minimumf %min3A_1018, %min3A_1019 : vector<512x512xf32>
    %max3A_1021 = vector.broadcast %get3A_990 : vector<512x1xf32> to vector<512x512xf32>
    %max3A_1022 = vector.broadcast %get3A_1005 : vector<1x512xf32> to vector<512x512xf32>
    %max3A_1023 = arith.maximumf %max3A_1021, %max3A_1022 : vector<512x512xf32>
    %sub3A_1024 = arith.subf %min3A_1020, %max3A_1023 : vector<512x512xf32>
    %jit3A_1025 = arith.constant 0.000000e+00 : f32
    %max3A_1026 = vector.broadcast %jit3A_1025 : f32 to vector<512x512xf32>
    %max3A_1027 = arith.maximumf %max3A_1026, %sub3A_1024 : vector<512x512xf32>
    %min3A_1028 = vector.broadcast %get3A_999 : vector<512x1xf32> to vector<512x512xf32>
    %min3A_1029 = vector.broadcast %get3A_1014 : vector<1x512xf32> to vector<512x512xf32>
    %min3A_1030 = arith.minimumf %min3A_1028, %min3A_1029 : vector<512x512xf32>
    %max3A_1031 = vector.broadcast %get3A_993 : vector<512x1xf32> to vector<512x512xf32>
    %max3A_1032 = vector.broadcast %get3A_1008 : vector<1x512xf32> to vector<512x512xf32>
    %max3A_1033 = arith.maximumf %max3A_1031, %max3A_1032 : vector<512x512xf32>
    %sub3A_1034 = arith.subf %min3A_1030, %max3A_1033 : vector<512x512xf32>
    %jit3A_1035 = arith.constant 0.000000e+00 : f32
    %max3A_1036 = vector.broadcast %jit3A_1035 : f32 to vector<512x512xf32>
    %max3A_1037 = arith.maximumf %max3A_1036, %sub3A_1034 : vector<512x512xf32>
    %mul3A_1038 = arith.mulf %max3A_1027, %max3A_1037 : vector<512x512xf32>
    %add3A_1039 = vector.broadcast %mul3A_1002 : vector<512x1xf32> to vector<512x512xf32>
    %add3A_1040 = vector.broadcast %mul3A_1017 : vector<1x512xf32> to vector<512x512xf32>
    %add3A_1041 = arith.addf %add3A_1039, %add3A_1040 : vector<512x512xf32>
    %sub3A_1042 = arith.subf %add3A_1041, %mul3A_1038 : vector<512x512xf32>
    %max3A_1043 = arith.constant 9.99999993E-9 : f32
    %max3A_1044 = vector.broadcast %max3A_1043 : f32 to vector<512x512xf32>
    %max3A_1045 = arith.maximumf %sub3A_1042, %max3A_1044 : vector<512x512xf32>
    %div3A_1046 = arith.divf %mul3A_1038, %max3A_1045 : vector<512x512xf32>
    %gt3A_1047 = arith.constant 5.000000e-01 : f32
    %gt3A_1048 = vector.broadcast %gt3A_1047 : f32 to vector<512x512xf32>
    %gt3A_1049 = arith.cmpf ogt, %div3A_1046, %gt3A_1048 : vector<512x512xf32>
    %and3A_1050 = arith.andi %gt3A_1049, %lt3A : vector<512x512xi1>
    %convert_element_type3A_1051 = arith.extui %and3A_1050 : vector<512x512xi1> to vector<512x512xi32>
    %convert_element_type3A_1052 = arith.sitofp %convert_element_type3A_1051 : vector<512x512xi32> to vector<512x512xf32>
    %swap3A_1053 = arith.constant 0 : index
    %swap3A_1054 = arith.constant 0 : index
    %swap3A_1055 = vector.load %arg6[%swap3A_1053, %swap3A_1054] : memref<512x512xf32, #tpu.memory_space<vmem>>, vector<512x512xf32>
    tpu.vector_store %arg6[%swap3A_1053, %swap3A_1054], %convert_element_type3A_1052 {strides = array<i32>} : memref<512x512xf32, #tpu.memory_space<vmem>>, vector<512x512xf32>,
    %while3A_1056 = arith.constant true
    %while3A_1057:2 = scf.while (%while3A_1809 = %select_n3A_959, %while3A_1810 = %while3A_1056) : (vector<1x512xf32>, i1) -> (vector<1x512xf32>, i1) {
      scf.condition(%while3A_1810) %while3A_1809, %while3A_1810 : vector<1x512xf32>, i1
    } do {
    ^bb0(%while3A_1809: vector<1x512xf32>, %while3A_1810: i1):
      %get3A_1811 = arith.constant 0 : index
      %get3A_1812 = arith.constant 0 : index
      %get3A_1813 = vector.load %arg6[%get3A_1811, %get3A_1812] : memref<512x512xf32, #tpu.memory_space<vmem>>, vector<512x512xf32>
      %dot_general3A_1814 = arith.constant dense<0.000000e+00> : vector<1x512xf32>
      %dot_general3A_1815 = tpu.matmul %while3A_1809, %get3A_1813, %dot_general3A_1814 {dimension_numbers = #tpu.dot_dimension_numbers<[1], [0], [0], [1], [0, 0, 1, 1], [], []>, transpose_lhs_hint = false} : vector<1x512xf32>, vector<512x512xf32>, vector<1x512xf32> -> vector<1x512xf32>
      %eq3A_1816 = arith.constant 0.000000e+00 : f32
      %eq3A_1817 = vector.broadcast %eq3A_1816 : f32 to vector<1x512xf32>
      %eq3A_1818 = arith.cmpf oeq, %dot_general3A_1815, %eq3A_1817 : vector<1x512xf32>
      %jit3A_1819 = arith.constant 0.000000e+00 : f32
      %broadcast_in_dim3A_1820 = vector.broadcast %jit3A_1819 : f32 to vector<1x512xf32>
      %select_n3A_1821 = arith.select %eq3A_1818, %select_n3A_959, %broadcast_in_dim3A_1820 : vector<1x512xi1>, vector<1x512xf32>
      %ne3A = arith.cmpf one, %select_n3A_1821, %while3A_1809 : vector<1x512xf32>
      %reduce_or3A = arith.constant 1.000000e+00 : f32
      %reduce_or3A_1822 = arith.constant 0.000000e+00 : f32
      %reduce_or3A_1823 = vector.broadcast %reduce_or3A : f32 to vector<1x512xf32>
      %reduce_or3A_1824 = vector.broadcast %reduce_or3A_1822 : f32 to vector<1x512xf32>
      %reduce_or3A_1825 = arith.select %ne3A, %reduce_or3A_1823, %reduce_or3A_1824 : vector<1x512xi1>, vector<1x512xf32>
      %reduce_or3A_1826 = vector.shape_cast %reduce_or3A_1825 : vector<1x512xf32> to vector<1x1x512xf32>
      %reduce_or3A_1827 = arith.constant dense<0xFF800000> : vector<1xf32>
      %reduce_or3A_1828 = vector.multi_reduction <maximumf>, %reduce_or3A_1826, %reduce_or3A_1827 [1, 2] : vector<1x1x512xf32> to vector<1xf32>
      %reduce_or3A_1829 = vector.shape_cast %reduce_or3A_1828 : vector<1xf32> to vector<1x1x1xf32>
      %reduce_or3A_1830 = vector.extract %reduce_or3A_1829[0, 0, 0] : f32 from vector<1x1x1xf32>
      %reduce_or3A_1831 = arith.constant 0.000000e+00 : f32
      %reduce_or3A_1832 = arith.cmpf ogt, %reduce_or3A_1830, %reduce_or3A_1831 : f32
      scf.yield %select_n3A_1821, %reduce_or3A_1832 : vector<1x512xf32>, i1
    }
    %get3A_1058 = arith.constant 2560 : index
    %get3A_1059 = arith.constant 0 : index
    %get3A_1060 = vector.load %arg0[%get3A_1058, %get3A_1059] : memref<5120x4xf32, #tpu.memory_space<vmem>>, vector<512x1xf32>
    %get3A_1061 = arith.constant 2560 : index
    %get3A_1062 = arith.constant 1 : index
    %get3A_1063 = vector.load %arg0[%get3A_1061, %get3A_1062] : memref<5120x4xf32, #tpu.memory_space<vmem>>, vector<512x1xf32>
    %get3A_1064 = arith.constant 2560 : index
    %get3A_1065 = arith.constant 2 : index
    %get3A_1066 = vector.load %arg0[%get3A_1064, %get3A_1065] : memref<5120x4xf32, #tpu.memory_space<vmem>>, vector<512x1xf32>
    %get3A_1067 = arith.constant 2560 : index
    %get3A_1068 = arith.constant 3 : index
    %get3A_1069 = vector.load %arg0[%get3A_1067, %get3A_1068] : memref<5120x4xf32, #tpu.memory_space<vmem>>, vector<512x1xf32>
    %sub3A_1070 = arith.subf %get3A_1066, %get3A_1060 : vector<512x1xf32>
    %sub3A_1071 = arith.subf %get3A_1069, %get3A_1063 : vector<512x1xf32>
    %mul3A_1072 = arith.mulf %sub3A_1070, %sub3A_1071 : vector<512x1xf32>
    %get3A_1073 = arith.constant 0 : index
    %get3A_1074 = arith.constant 3072 : index
    %get3A_1075 = vector.load %arg1[%get3A_1073, %get3A_1074] : memref<4x5120xf32, #tpu.memory_space<vmem>>, vector<1x2048xf32>
    %get3A_1076 = arith.constant 1 : index
    %get3A_1077 = arith.constant 3072 : index
    %get3A_1078 = vector.load %arg1[%get3A_1076, %get3A_1077] : memref<4x5120xf32, #tpu.memory_space<vmem>>, vector<1x2048xf32>
    %get3A_1079 = arith.constant 2 : index
    %get3A_1080 = arith.constant 3072 : index
    %get3A_1081 = vector.load %arg1[%get3A_1079, %get3A_1080] : memref<4x5120xf32, #tpu.memory_space<vmem>>, vector<1x2048xf32>
    %get3A_1082 = arith.constant 3 : index
    %get3A_1083 = arith.constant 3072 : index
    %get3A_1084 = vector.load %arg1[%get3A_1082, %get3A_1083] : memref<4x5120xf32, #tpu.memory_space<vmem>>, vector<1x2048xf32>
    %sub3A_1085 = arith.subf %get3A_1081, %get3A_1075 : vector<1x2048xf32>
    %sub3A_1086 = arith.subf %get3A_1084, %get3A_1078 : vector<1x2048xf32>
    %mul3A_1087 = arith.mulf %sub3A_1085, %sub3A_1086 : vector<1x2048xf32>
    %min3A_1088 = vector.broadcast %get3A_1066 : vector<512x1xf32> to vector<512x2048xf32>
    %min3A_1089 = vector.broadcast %get3A_1081 : vector<1x2048xf32> to vector<512x2048xf32>
    %min3A_1090 = arith.minimumf %min3A_1088, %min3A_1089 : vector<512x2048xf32>
    %max3A_1091 = vector.broadcast %get3A_1060 : vector<512x1xf32> to vector<512x2048xf32>
    %max3A_1092 = vector.broadcast %get3A_1075 : vector<1x2048xf32> to vector<512x2048xf32>
    %max3A_1093 = arith.maximumf %max3A_1091, %max3A_1092 : vector<512x2048xf32>
    %sub3A_1094 = arith.subf %min3A_1090, %max3A_1093 : vector<512x2048xf32>
    %jit3A_1095 = arith.constant 0.000000e+00 : f32
    %max3A_1096 = vector.broadcast %jit3A_1095 : f32 to vector<512x2048xf32>
    %max3A_1097 = arith.maximumf %max3A_1096, %sub3A_1094 : vector<512x2048xf32>
    %min3A_1098 = vector.broadcast %get3A_1069 : vector<512x1xf32> to vector<512x2048xf32>
    %min3A_1099 = vector.broadcast %get3A_1084 : vector<1x2048xf32> to vector<512x2048xf32>
    %min3A_1100 = arith.minimumf %min3A_1098, %min3A_1099 : vector<512x2048xf32>
    %max3A_1101 = vector.broadcast %get3A_1063 : vector<512x1xf32> to vector<512x2048xf32>
    %max3A_1102 = vector.broadcast %get3A_1078 : vector<1x2048xf32> to vector<512x2048xf32>
    %max3A_1103 = arith.maximumf %max3A_1101, %max3A_1102 : vector<512x2048xf32>
    %sub3A_1104 = arith.subf %min3A_1100, %max3A_1103 : vector<512x2048xf32>
    %jit3A_1105 = arith.constant 0.000000e+00 : f32
    %max3A_1106 = vector.broadcast %jit3A_1105 : f32 to vector<512x2048xf32>
    %max3A_1107 = arith.maximumf %max3A_1106, %sub3A_1104 : vector<512x2048xf32>
    %mul3A_1108 = arith.mulf %max3A_1097, %max3A_1107 : vector<512x2048xf32>
    %add3A_1109 = vector.broadcast %mul3A_1072 : vector<512x1xf32> to vector<512x2048xf32>
    %add3A_1110 = vector.broadcast %mul3A_1087 : vector<1x2048xf32> to vector<512x2048xf32>
    %add3A_1111 = arith.addf %add3A_1109, %add3A_1110 : vector<512x2048xf32>
    %sub3A_1112 = arith.subf %add3A_1111, %mul3A_1108 : vector<512x2048xf32>
    %max3A_1113 = arith.constant 9.99999993E-9 : f32
    %max3A_1114 = vector.broadcast %max3A_1113 : f32 to vector<512x2048xf32>
    %max3A_1115 = arith.maximumf %sub3A_1112, %max3A_1114 : vector<512x2048xf32>
    %div3A_1116 = arith.divf %mul3A_1108, %max3A_1115 : vector<512x2048xf32>
    %gt3A_1117 = arith.constant 5.000000e-01 : f32
    %gt3A_1118 = vector.broadcast %gt3A_1117 : f32 to vector<512x2048xf32>
    %gt3A_1119 = arith.cmpf ogt, %div3A_1116, %gt3A_1118 : vector<512x2048xf32>
    %convert_element_type3A_1120 = arith.extui %gt3A_1119 : vector<512x2048xi1> to vector<512x2048xi32>
    %convert_element_type3A_1121 = arith.sitofp %convert_element_type3A_1120 : vector<512x2048xi32> to vector<512x2048xf32>
    %dot_general3A_1122 = arith.constant dense<0.000000e+00> : vector<1x2048xf32>
    %dot_general3A_1123 = tpu.matmul %while3A_1057#0, %convert_element_type3A_1121, %dot_general3A_1122 {dimension_numbers = #tpu.dot_dimension_numbers<[1], [0], [0], [1], [0, 0, 1, 1], [], []>, transpose_lhs_hint = false} : vector<1x512xf32>, vector<512x2048xf32>, vector<1x2048xf32> -> vector<1x2048xf32>
    %slice3A_1124 = vector.extract_strided_slice %dot_general3A_1123 {offsets = [0, 0], sizes = [1, 512], strides = [1, 1]} : vector<1x2048xf32> to vector<1x512xf32>
    %eq3A_1125 = arith.constant 0.000000e+00 : f32
    %eq3A_1126 = vector.broadcast %eq3A_1125 : f32 to vector<1x512xf32>
    %eq3A_1127 = arith.cmpf oeq, %slice3A_1124, %eq3A_1126 : vector<1x512xf32>
    %jit3A_1128 = arith.constant 0.000000e+00 : f32
    %broadcast_in_dim3A_1129 = vector.broadcast %jit3A_1128 : f32 to vector<1x512xf32>
    %select_n3A_1130 = arith.select %eq3A_1127, %select_n3A_966, %broadcast_in_dim3A_1129 : vector<1x512xi1>, vector<1x512xf32>
    %slice3A_1131 = vector.extract_strided_slice %dot_general3A_1123 {offsets = [0, 512], sizes = [1, 512], strides = [1, 1]} : vector<1x2048xf32> to vector<1x512xf32>
    %eq3A_1132 = arith.constant 0.000000e+00 : f32
    %eq3A_1133 = vector.broadcast %eq3A_1132 : f32 to vector<1x512xf32>
    %eq3A_1134 = arith.cmpf oeq, %slice3A_1131, %eq3A_1133 : vector<1x512xf32>
    %jit3A_1135 = arith.constant 0.000000e+00 : f32
    %broadcast_in_dim3A_1136 = vector.broadcast %jit3A_1135 : f32 to vector<1x512xf32>
    %select_n3A_1137 = arith.select %eq3A_1134, %select_n3A_973, %broadcast_in_dim3A_1136 : vector<1x512xi1>, vector<1x512xf32>
    %slice3A_1138 = vector.extract_strided_slice %dot_general3A_1123 {offsets = [0, 1024], sizes = [1, 512], strides = [1, 1]} : vector<1x2048xf32> to vector<1x512xf32>
    %eq3A_1139 = arith.constant 0.000000e+00 : f32
    %eq3A_1140 = vector.broadcast %eq3A_1139 : f32 to vector<1x512xf32>
    %eq3A_1141 = arith.cmpf oeq, %slice3A_1138, %eq3A_1140 : vector<1x512xf32>
    %jit3A_1142 = arith.constant 0.000000e+00 : f32
    %broadcast_in_dim3A_1143 = vector.broadcast %jit3A_1142 : f32 to vector<1x512xf32>
    %select_n3A_1144 = arith.select %eq3A_1141, %select_n3A_980, %broadcast_in_dim3A_1143 : vector<1x512xi1>, vector<1x512xf32>
    %slice3A_1145 = vector.extract_strided_slice %dot_general3A_1123 {offsets = [0, 1536], sizes = [1, 512], strides = [1, 1]} : vector<1x2048xf32> to vector<1x512xf32>
    %eq3A_1146 = arith.constant 0.000000e+00 : f32
    %eq3A_1147 = vector.broadcast %eq3A_1146 : f32 to vector<1x512xf32>
    %eq3A_1148 = arith.cmpf oeq, %slice3A_1145, %eq3A_1147 : vector<1x512xf32>
    %jit3A_1149 = arith.constant 0.000000e+00 : f32
    %broadcast_in_dim3A_1150 = vector.broadcast %jit3A_1149 : f32 to vector<1x512xf32>
    %select_n3A_1151 = arith.select %eq3A_1148, %select_n3A_987, %broadcast_in_dim3A_1150 : vector<1x512xi1>, vector<1x512xf32>
    %get3A_1152 = arith.constant 3072 : index
    %get3A_1153 = arith.constant 0 : index
    %get3A_1154 = vector.load %arg0[%get3A_1152, %get3A_1153] : memref<5120x4xf32, #tpu.memory_space<vmem>>, vector<512x1xf32>
    %get3A_1155 = arith.constant 3072 : index
    %get3A_1156 = arith.constant 1 : index
    %get3A_1157 = vector.load %arg0[%get3A_1155, %get3A_1156] : memref<5120x4xf32, #tpu.memory_space<vmem>>, vector<512x1xf32>
    %get3A_1158 = arith.constant 3072 : index
    %get3A_1159 = arith.constant 2 : index
    %get3A_1160 = vector.load %arg0[%get3A_1158, %get3A_1159] : memref<5120x4xf32, #tpu.memory_space<vmem>>, vector<512x1xf32>
    %get3A_1161 = arith.constant 3072 : index
    %get3A_1162 = arith.constant 3 : index
    %get3A_1163 = vector.load %arg0[%get3A_1161, %get3A_1162] : memref<5120x4xf32, #tpu.memory_space<vmem>>, vector<512x1xf32>
    %sub3A_1164 = arith.subf %get3A_1160, %get3A_1154 : vector<512x1xf32>
    %sub3A_1165 = arith.subf %get3A_1163, %get3A_1157 : vector<512x1xf32>
    %mul3A_1166 = arith.mulf %sub3A_1164, %sub3A_1165 : vector<512x1xf32>
    %get3A_1167 = arith.constant 0 : index
    %get3A_1168 = arith.constant 3072 : index
    %get3A_1169 = vector.load %arg1[%get3A_1167, %get3A_1168] : memref<4x5120xf32, #tpu.memory_space<vmem>>, vector<1x512xf32>
    %get3A_1170 = arith.constant 1 : index
    %get3A_1171 = arith.constant 3072 : index
    %get3A_1172 = vector.load %arg1[%get3A_1170, %get3A_1171] : memref<4x5120xf32, #tpu.memory_space<vmem>>, vector<1x512xf32>
    %get3A_1173 = arith.constant 2 : index
    %get3A_1174 = arith.constant 3072 : index
    %get3A_1175 = vector.load %arg1[%get3A_1173, %get3A_1174] : memref<4x5120xf32, #tpu.memory_space<vmem>>, vector<1x512xf32>
    %get3A_1176 = arith.constant 3 : index
    %get3A_1177 = arith.constant 3072 : index
    %get3A_1178 = vector.load %arg1[%get3A_1176, %get3A_1177] : memref<4x5120xf32, #tpu.memory_space<vmem>>, vector<1x512xf32>
    %sub3A_1179 = arith.subf %get3A_1175, %get3A_1169 : vector<1x512xf32>
    %sub3A_1180 = arith.subf %get3A_1178, %get3A_1172 : vector<1x512xf32>
    %mul3A_1181 = arith.mulf %sub3A_1179, %sub3A_1180 : vector<1x512xf32>
    %min3A_1182 = vector.broadcast %get3A_1160 : vector<512x1xf32> to vector<512x512xf32>
    %min3A_1183 = vector.broadcast %get3A_1175 : vector<1x512xf32> to vector<512x512xf32>
    %min3A_1184 = arith.minimumf %min3A_1182, %min3A_1183 : vector<512x512xf32>
    %max3A_1185 = vector.broadcast %get3A_1154 : vector<512x1xf32> to vector<512x512xf32>
    %max3A_1186 = vector.broadcast %get3A_1169 : vector<1x512xf32> to vector<512x512xf32>
    %max3A_1187 = arith.maximumf %max3A_1185, %max3A_1186 : vector<512x512xf32>
    %sub3A_1188 = arith.subf %min3A_1184, %max3A_1187 : vector<512x512xf32>
    %jit3A_1189 = arith.constant 0.000000e+00 : f32
    %max3A_1190 = vector.broadcast %jit3A_1189 : f32 to vector<512x512xf32>
    %max3A_1191 = arith.maximumf %max3A_1190, %sub3A_1188 : vector<512x512xf32>
    %min3A_1192 = vector.broadcast %get3A_1163 : vector<512x1xf32> to vector<512x512xf32>
    %min3A_1193 = vector.broadcast %get3A_1178 : vector<1x512xf32> to vector<512x512xf32>
    %min3A_1194 = arith.minimumf %min3A_1192, %min3A_1193 : vector<512x512xf32>
    %max3A_1195 = vector.broadcast %get3A_1157 : vector<512x1xf32> to vector<512x512xf32>
    %max3A_1196 = vector.broadcast %get3A_1172 : vector<1x512xf32> to vector<512x512xf32>
    %max3A_1197 = arith.maximumf %max3A_1195, %max3A_1196 : vector<512x512xf32>
    %sub3A_1198 = arith.subf %min3A_1194, %max3A_1197 : vector<512x512xf32>
    %jit3A_1199 = arith.constant 0.000000e+00 : f32
    %max3A_1200 = vector.broadcast %jit3A_1199 : f32 to vector<512x512xf32>
    %max3A_1201 = arith.maximumf %max3A_1200, %sub3A_1198 : vector<512x512xf32>
    %mul3A_1202 = arith.mulf %max3A_1191, %max3A_1201 : vector<512x512xf32>
    %add3A_1203 = vector.broadcast %mul3A_1166 : vector<512x1xf32> to vector<512x512xf32>
    %add3A_1204 = vector.broadcast %mul3A_1181 : vector<1x512xf32> to vector<512x512xf32>
    %add3A_1205 = arith.addf %add3A_1203, %add3A_1204 : vector<512x512xf32>
    %sub3A_1206 = arith.subf %add3A_1205, %mul3A_1202 : vector<512x512xf32>
    %max3A_1207 = arith.constant 9.99999993E-9 : f32
    %max3A_1208 = vector.broadcast %max3A_1207 : f32 to vector<512x512xf32>
    %max3A_1209 = arith.maximumf %sub3A_1206, %max3A_1208 : vector<512x512xf32>
    %div3A_1210 = arith.divf %mul3A_1202, %max3A_1209 : vector<512x512xf32>
    %gt3A_1211 = arith.constant 5.000000e-01 : f32
    %gt3A_1212 = vector.broadcast %gt3A_1211 : f32 to vector<512x512xf32>
    %gt3A_1213 = arith.cmpf ogt, %div3A_1210, %gt3A_1212 : vector<512x512xf32>
    %and3A_1214 = arith.andi %gt3A_1213, %lt3A : vector<512x512xi1>
    %convert_element_type3A_1215 = arith.extui %and3A_1214 : vector<512x512xi1> to vector<512x512xi32>
    %convert_element_type3A_1216 = arith.sitofp %convert_element_type3A_1215 : vector<512x512xi32> to vector<512x512xf32>
    %swap3A_1217 = arith.constant 0 : index
    %swap3A_1218 = arith.constant 0 : index
    %swap3A_1219 = vector.load %arg6[%swap3A_1217, %swap3A_1218] : memref<512x512xf32, #tpu.memory_space<vmem>>, vector<512x512xf32>
    tpu.vector_store %arg6[%swap3A_1217, %swap3A_1218], %convert_element_type3A_1216 {strides = array<i32>} : memref<512x512xf32, #tpu.memory_space<vmem>>, vector<512x512xf32>,
    %while3A_1220 = arith.constant true
    %while3A_1221:2 = scf.while (%while3A_1809 = %select_n3A_1130, %while3A_1810 = %while3A_1220) : (vector<1x512xf32>, i1) -> (vector<1x512xf32>, i1) {
      scf.condition(%while3A_1810) %while3A_1809, %while3A_1810 : vector<1x512xf32>, i1
    } do {
    ^bb0(%while3A_1809: vector<1x512xf32>, %while3A_1810: i1):
      %get3A_1811 = arith.constant 0 : index
      %get3A_1812 = arith.constant 0 : index
      %get3A_1813 = vector.load %arg6[%get3A_1811, %get3A_1812] : memref<512x512xf32, #tpu.memory_space<vmem>>, vector<512x512xf32>
      %dot_general3A_1814 = arith.constant dense<0.000000e+00> : vector<1x512xf32>
      %dot_general3A_1815 = tpu.matmul %while3A_1809, %get3A_1813, %dot_general3A_1814 {dimension_numbers = #tpu.dot_dimension_numbers<[1], [0], [0], [1], [0, 0, 1, 1], [], []>, transpose_lhs_hint = false} : vector<1x512xf32>, vector<512x512xf32>, vector<1x512xf32> -> vector<1x512xf32>
      %eq3A_1816 = arith.constant 0.000000e+00 : f32
      %eq3A_1817 = vector.broadcast %eq3A_1816 : f32 to vector<1x512xf32>
      %eq3A_1818 = arith.cmpf oeq, %dot_general3A_1815, %eq3A_1817 : vector<1x512xf32>
      %jit3A_1819 = arith.constant 0.000000e+00 : f32
      %broadcast_in_dim3A_1820 = vector.broadcast %jit3A_1819 : f32 to vector<1x512xf32>
      %select_n3A_1821 = arith.select %eq3A_1818, %select_n3A_1130, %broadcast_in_dim3A_1820 : vector<1x512xi1>, vector<1x512xf32>
      %ne3A = arith.cmpf one, %select_n3A_1821, %while3A_1809 : vector<1x512xf32>
      %reduce_or3A = arith.constant 1.000000e+00 : f32
      %reduce_or3A_1822 = arith.constant 0.000000e+00 : f32
      %reduce_or3A_1823 = vector.broadcast %reduce_or3A : f32 to vector<1x512xf32>
      %reduce_or3A_1824 = vector.broadcast %reduce_or3A_1822 : f32 to vector<1x512xf32>
      %reduce_or3A_1825 = arith.select %ne3A, %reduce_or3A_1823, %reduce_or3A_1824 : vector<1x512xi1>, vector<1x512xf32>
      %reduce_or3A_1826 = vector.shape_cast %reduce_or3A_1825 : vector<1x512xf32> to vector<1x1x512xf32>
      %reduce_or3A_1827 = arith.constant dense<0xFF800000> : vector<1xf32>
      %reduce_or3A_1828 = vector.multi_reduction <maximumf>, %reduce_or3A_1826, %reduce_or3A_1827 [1, 2] : vector<1x1x512xf32> to vector<1xf32>
      %reduce_or3A_1829 = vector.shape_cast %reduce_or3A_1828 : vector<1xf32> to vector<1x1x1xf32>
      %reduce_or3A_1830 = vector.extract %reduce_or3A_1829[0, 0, 0] : f32 from vector<1x1x1xf32>
      %reduce_or3A_1831 = arith.constant 0.000000e+00 : f32
      %reduce_or3A_1832 = arith.cmpf ogt, %reduce_or3A_1830, %reduce_or3A_1831 : f32
      scf.yield %select_n3A_1821, %reduce_or3A_1832 : vector<1x512xf32>, i1
    }
    %get3A_1222 = arith.constant 3072 : index
    %get3A_1223 = arith.constant 0 : index
    %get3A_1224 = vector.load %arg0[%get3A_1222, %get3A_1223] : memref<5120x4xf32, #tpu.memory_space<vmem>>, vector<512x1xf32>
    %get3A_1225 = arith.constant 3072 : index
    %get3A_1226 = arith.constant 1 : index
    %get3A_1227 = vector.load %arg0[%get3A_1225, %get3A_1226] : memref<5120x4xf32, #tpu.memory_space<vmem>>, vector<512x1xf32>
    %get3A_1228 = arith.constant 3072 : index
    %get3A_1229 = arith.constant 2 : index
    %get3A_1230 = vector.load %arg0[%get3A_1228, %get3A_1229] : memref<5120x4xf32, #tpu.memory_space<vmem>>, vector<512x1xf32>
    %get3A_1231 = arith.constant 3072 : index
    %get3A_1232 = arith.constant 3 : index
    %get3A_1233 = vector.load %arg0[%get3A_1231, %get3A_1232] : memref<5120x4xf32, #tpu.memory_space<vmem>>, vector<512x1xf32>
    %sub3A_1234 = arith.subf %get3A_1230, %get3A_1224 : vector<512x1xf32>
    %sub3A_1235 = arith.subf %get3A_1233, %get3A_1227 : vector<512x1xf32>
    %mul3A_1236 = arith.mulf %sub3A_1234, %sub3A_1235 : vector<512x1xf32>
    %get3A_1237 = arith.constant 0 : index
    %get3A_1238 = arith.constant 3584 : index
    %get3A_1239 = vector.load %arg1[%get3A_1237, %get3A_1238] : memref<4x5120xf32, #tpu.memory_space<vmem>>, vector<1x1536xf32>
    %get3A_1240 = arith.constant 1 : index
    %get3A_1241 = arith.constant 3584 : index
    %get3A_1242 = vector.load %arg1[%get3A_1240, %get3A_1241] : memref<4x5120xf32, #tpu.memory_space<vmem>>, vector<1x1536xf32>
    %get3A_1243 = arith.constant 2 : index
    %get3A_1244 = arith.constant 3584 : index
    %get3A_1245 = vector.load %arg1[%get3A_1243, %get3A_1244] : memref<4x5120xf32, #tpu.memory_space<vmem>>, vector<1x1536xf32>
    %get3A_1246 = arith.constant 3 : index
    %get3A_1247 = arith.constant 3584 : index
    %get3A_1248 = vector.load %arg1[%get3A_1246, %get3A_1247] : memref<4x5120xf32, #tpu.memory_space<vmem>>, vector<1x1536xf32>
    %sub3A_1249 = arith.subf %get3A_1245, %get3A_1239 : vector<1x1536xf32>
    %sub3A_1250 = arith.subf %get3A_1248, %get3A_1242 : vector<1x1536xf32>
    %mul3A_1251 = arith.mulf %sub3A_1249, %sub3A_1250 : vector<1x1536xf32>
    %min3A_1252 = vector.broadcast %get3A_1230 : vector<512x1xf32> to vector<512x1536xf32>
    %min3A_1253 = vector.broadcast %get3A_1245 : vector<1x1536xf32> to vector<512x1536xf32>
    %min3A_1254 = arith.minimumf %min3A_1252, %min3A_1253 : vector<512x1536xf32>
    %max3A_1255 = vector.broadcast %get3A_1224 : vector<512x1xf32> to vector<512x1536xf32>
    %max3A_1256 = vector.broadcast %get3A_1239 : vector<1x1536xf32> to vector<512x1536xf32>
    %max3A_1257 = arith.maximumf %max3A_1255, %max3A_1256 : vector<512x1536xf32>
    %sub3A_1258 = arith.subf %min3A_1254, %max3A_1257 : vector<512x1536xf32>
    %jit3A_1259 = arith.constant 0.000000e+00 : f32
    %max3A_1260 = vector.broadcast %jit3A_1259 : f32 to vector<512x1536xf32>
    %max3A_1261 = arith.maximumf %max3A_1260, %sub3A_1258 : vector<512x1536xf32>
    %min3A_1262 = vector.broadcast %get3A_1233 : vector<512x1xf32> to vector<512x1536xf32>
    %min3A_1263 = vector.broadcast %get3A_1248 : vector<1x1536xf32> to vector<512x1536xf32>
    %min3A_1264 = arith.minimumf %min3A_1262, %min3A_1263 : vector<512x1536xf32>
    %max3A_1265 = vector.broadcast %get3A_1227 : vector<512x1xf32> to vector<512x1536xf32>
    %max3A_1266 = vector.broadcast %get3A_1242 : vector<1x1536xf32> to vector<512x1536xf32>
    %max3A_1267 = arith.maximumf %max3A_1265, %max3A_1266 : vector<512x1536xf32>
    %sub3A_1268 = arith.subf %min3A_1264, %max3A_1267 : vector<512x1536xf32>
    %jit3A_1269 = arith.constant 0.000000e+00 : f32
    %max3A_1270 = vector.broadcast %jit3A_1269 : f32 to vector<512x1536xf32>
    %max3A_1271 = arith.maximumf %max3A_1270, %sub3A_1268 : vector<512x1536xf32>
    %mul3A_1272 = arith.mulf %max3A_1261, %max3A_1271 : vector<512x1536xf32>
    %add3A_1273 = vector.broadcast %mul3A_1236 : vector<512x1xf32> to vector<512x1536xf32>
    %add3A_1274 = vector.broadcast %mul3A_1251 : vector<1x1536xf32> to vector<512x1536xf32>
    %add3A_1275 = arith.addf %add3A_1273, %add3A_1274 : vector<512x1536xf32>
    %sub3A_1276 = arith.subf %add3A_1275, %mul3A_1272 : vector<512x1536xf32>
    %max3A_1277 = arith.constant 9.99999993E-9 : f32
    %max3A_1278 = vector.broadcast %max3A_1277 : f32 to vector<512x1536xf32>
    %max3A_1279 = arith.maximumf %sub3A_1276, %max3A_1278 : vector<512x1536xf32>
    %div3A_1280 = arith.divf %mul3A_1272, %max3A_1279 : vector<512x1536xf32>
    %gt3A_1281 = arith.constant 5.000000e-01 : f32
    %gt3A_1282 = vector.broadcast %gt3A_1281 : f32 to vector<512x1536xf32>
    %gt3A_1283 = arith.cmpf ogt, %div3A_1280, %gt3A_1282 : vector<512x1536xf32>
    %convert_element_type3A_1284 = arith.extui %gt3A_1283 : vector<512x1536xi1> to vector<512x1536xi32>
    %convert_element_type3A_1285 = arith.sitofp %convert_element_type3A_1284 : vector<512x1536xi32> to vector<512x1536xf32>
    %dot_general3A_1286 = arith.constant dense<0.000000e+00> : vector<1x1536xf32>
    %dot_general3A_1287 = tpu.matmul %while3A_1221#0, %convert_element_type3A_1285, %dot_general3A_1286 {dimension_numbers = #tpu.dot_dimension_numbers<[1], [0], [0], [1], [0, 0, 1, 1], [], []>, transpose_lhs_hint = false} : vector<1x512xf32>, vector<512x1536xf32>, vector<1x1536xf32> -> vector<1x1536xf32>
    %slice3A_1288 = vector.extract_strided_slice %dot_general3A_1287 {offsets = [0, 0], sizes = [1, 512], strides = [1, 1]} : vector<1x1536xf32> to vector<1x512xf32>
    %eq3A_1289 = arith.constant 0.000000e+00 : f32
    %eq3A_1290 = vector.broadcast %eq3A_1289 : f32 to vector<1x512xf32>
    %eq3A_1291 = arith.cmpf oeq, %slice3A_1288, %eq3A_1290 : vector<1x512xf32>
    %jit3A_1292 = arith.constant 0.000000e+00 : f32
    %broadcast_in_dim3A_1293 = vector.broadcast %jit3A_1292 : f32 to vector<1x512xf32>
    %select_n3A_1294 = arith.select %eq3A_1291, %select_n3A_1137, %broadcast_in_dim3A_1293 : vector<1x512xi1>, vector<1x512xf32>
    %slice3A_1295 = vector.extract_strided_slice %dot_general3A_1287 {offsets = [0, 512], sizes = [1, 512], strides = [1, 1]} : vector<1x1536xf32> to vector<1x512xf32>
    %eq3A_1296 = arith.constant 0.000000e+00 : f32
    %eq3A_1297 = vector.broadcast %eq3A_1296 : f32 to vector<1x512xf32>
    %eq3A_1298 = arith.cmpf oeq, %slice3A_1295, %eq3A_1297 : vector<1x512xf32>
    %jit3A_1299 = arith.constant 0.000000e+00 : f32
    %broadcast_in_dim3A_1300 = vector.broadcast %jit3A_1299 : f32 to vector<1x512xf32>
    %select_n3A_1301 = arith.select %eq3A_1298, %select_n3A_1144, %broadcast_in_dim3A_1300 : vector<1x512xi1>, vector<1x512xf32>
    %slice3A_1302 = vector.extract_strided_slice %dot_general3A_1287 {offsets = [0, 1024], sizes = [1, 512], strides = [1, 1]} : vector<1x1536xf32> to vector<1x512xf32>
    %eq3A_1303 = arith.constant 0.000000e+00 : f32
    %eq3A_1304 = vector.broadcast %eq3A_1303 : f32 to vector<1x512xf32>
    %eq3A_1305 = arith.cmpf oeq, %slice3A_1302, %eq3A_1304 : vector<1x512xf32>
    %jit3A_1306 = arith.constant 0.000000e+00 : f32
    %broadcast_in_dim3A_1307 = vector.broadcast %jit3A_1306 : f32 to vector<1x512xf32>
    %select_n3A_1308 = arith.select %eq3A_1305, %select_n3A_1151, %broadcast_in_dim3A_1307 : vector<1x512xi1>, vector<1x512xf32>
    %get3A_1309 = arith.constant 3584 : index
    %get3A_1310 = arith.constant 0 : index
    %get3A_1311 = vector.load %arg0[%get3A_1309, %get3A_1310] : memref<5120x4xf32, #tpu.memory_space<vmem>>, vector<512x1xf32>
    %get3A_1312 = arith.constant 3584 : index
    %get3A_1313 = arith.constant 1 : index
    %get3A_1314 = vector.load %arg0[%get3A_1312, %get3A_1313] : memref<5120x4xf32, #tpu.memory_space<vmem>>, vector<512x1xf32>
    %get3A_1315 = arith.constant 3584 : index
    %get3A_1316 = arith.constant 2 : index
    %get3A_1317 = vector.load %arg0[%get3A_1315, %get3A_1316] : memref<5120x4xf32, #tpu.memory_space<vmem>>, vector<512x1xf32>
    %get3A_1318 = arith.constant 3584 : index
    %get3A_1319 = arith.constant 3 : index
    %get3A_1320 = vector.load %arg0[%get3A_1318, %get3A_1319] : memref<5120x4xf32, #tpu.memory_space<vmem>>, vector<512x1xf32>
    %sub3A_1321 = arith.subf %get3A_1317, %get3A_1311 : vector<512x1xf32>
    %sub3A_1322 = arith.subf %get3A_1320, %get3A_1314 : vector<512x1xf32>
    %mul3A_1323 = arith.mulf %sub3A_1321, %sub3A_1322 : vector<512x1xf32>
    %get3A_1324 = arith.constant 0 : index
    %get3A_1325 = arith.constant 3584 : index
    %get3A_1326 = vector.load %arg1[%get3A_1324, %get3A_1325] : memref<4x5120xf32, #tpu.memory_space<vmem>>, vector<1x512xf32>
    %get3A_1327 = arith.constant 1 : index
    %get3A_1328 = arith.constant 3584 : index
    %get3A_1329 = vector.load %arg1[%get3A_1327, %get3A_1328] : memref<4x5120xf32, #tpu.memory_space<vmem>>, vector<1x512xf32>
    %get3A_1330 = arith.constant 2 : index
    %get3A_1331 = arith.constant 3584 : index
    %get3A_1332 = vector.load %arg1[%get3A_1330, %get3A_1331] : memref<4x5120xf32, #tpu.memory_space<vmem>>, vector<1x512xf32>
    %get3A_1333 = arith.constant 3 : index
    %get3A_1334 = arith.constant 3584 : index
    %get3A_1335 = vector.load %arg1[%get3A_1333, %get3A_1334] : memref<4x5120xf32, #tpu.memory_space<vmem>>, vector<1x512xf32>
    %sub3A_1336 = arith.subf %get3A_1332, %get3A_1326 : vector<1x512xf32>
    %sub3A_1337 = arith.subf %get3A_1335, %get3A_1329 : vector<1x512xf32>
    %mul3A_1338 = arith.mulf %sub3A_1336, %sub3A_1337 : vector<1x512xf32>
    %min3A_1339 = vector.broadcast %get3A_1317 : vector<512x1xf32> to vector<512x512xf32>
    %min3A_1340 = vector.broadcast %get3A_1332 : vector<1x512xf32> to vector<512x512xf32>
    %min3A_1341 = arith.minimumf %min3A_1339, %min3A_1340 : vector<512x512xf32>
    %max3A_1342 = vector.broadcast %get3A_1311 : vector<512x1xf32> to vector<512x512xf32>
    %max3A_1343 = vector.broadcast %get3A_1326 : vector<1x512xf32> to vector<512x512xf32>
    %max3A_1344 = arith.maximumf %max3A_1342, %max3A_1343 : vector<512x512xf32>
    %sub3A_1345 = arith.subf %min3A_1341, %max3A_1344 : vector<512x512xf32>
    %jit3A_1346 = arith.constant 0.000000e+00 : f32
    %max3A_1347 = vector.broadcast %jit3A_1346 : f32 to vector<512x512xf32>
    %max3A_1348 = arith.maximumf %max3A_1347, %sub3A_1345 : vector<512x512xf32>
    %min3A_1349 = vector.broadcast %get3A_1320 : vector<512x1xf32> to vector<512x512xf32>
    %min3A_1350 = vector.broadcast %get3A_1335 : vector<1x512xf32> to vector<512x512xf32>
    %min3A_1351 = arith.minimumf %min3A_1349, %min3A_1350 : vector<512x512xf32>
    %max3A_1352 = vector.broadcast %get3A_1314 : vector<512x1xf32> to vector<512x512xf32>
    %max3A_1353 = vector.broadcast %get3A_1329 : vector<1x512xf32> to vector<512x512xf32>
    %max3A_1354 = arith.maximumf %max3A_1352, %max3A_1353 : vector<512x512xf32>
    %sub3A_1355 = arith.subf %min3A_1351, %max3A_1354 : vector<512x512xf32>
    %jit3A_1356 = arith.constant 0.000000e+00 : f32
    %max3A_1357 = vector.broadcast %jit3A_1356 : f32 to vector<512x512xf32>
    %max3A_1358 = arith.maximumf %max3A_1357, %sub3A_1355 : vector<512x512xf32>
    %mul3A_1359 = arith.mulf %max3A_1348, %max3A_1358 : vector<512x512xf32>
    %add3A_1360 = vector.broadcast %mul3A_1323 : vector<512x1xf32> to vector<512x512xf32>
    %add3A_1361 = vector.broadcast %mul3A_1338 : vector<1x512xf32> to vector<512x512xf32>
    %add3A_1362 = arith.addf %add3A_1360, %add3A_1361 : vector<512x512xf32>
    %sub3A_1363 = arith.subf %add3A_1362, %mul3A_1359 : vector<512x512xf32>
    %max3A_1364 = arith.constant 9.99999993E-9 : f32
    %max3A_1365 = vector.broadcast %max3A_1364 : f32 to vector<512x512xf32>
    %max3A_1366 = arith.maximumf %sub3A_1363, %max3A_1365 : vector<512x512xf32>
    %div3A_1367 = arith.divf %mul3A_1359, %max3A_1366 : vector<512x512xf32>
    %gt3A_1368 = arith.constant 5.000000e-01 : f32
    %gt3A_1369 = vector.broadcast %gt3A_1368 : f32 to vector<512x512xf32>
    %gt3A_1370 = arith.cmpf ogt, %div3A_1367, %gt3A_1369 : vector<512x512xf32>
    %and3A_1371 = arith.andi %gt3A_1370, %lt3A : vector<512x512xi1>
    %convert_element_type3A_1372 = arith.extui %and3A_1371 : vector<512x512xi1> to vector<512x512xi32>
    %convert_element_type3A_1373 = arith.sitofp %convert_element_type3A_1372 : vector<512x512xi32> to vector<512x512xf32>
    %swap3A_1374 = arith.constant 0 : index
    %swap3A_1375 = arith.constant 0 : index
    %swap3A_1376 = vector.load %arg6[%swap3A_1374, %swap3A_1375] : memref<512x512xf32, #tpu.memory_space<vmem>>, vector<512x512xf32>
    tpu.vector_store %arg6[%swap3A_1374, %swap3A_1375], %convert_element_type3A_1373 {strides = array<i32>} : memref<512x512xf32, #tpu.memory_space<vmem>>, vector<512x512xf32>,
    %while3A_1377 = arith.constant true
    %while3A_1378:2 = scf.while (%while3A_1809 = %select_n3A_1294, %while3A_1810 = %while3A_1377) : (vector<1x512xf32>, i1) -> (vector<1x512xf32>, i1) {
      scf.condition(%while3A_1810) %while3A_1809, %while3A_1810 : vector<1x512xf32>, i1
    } do {
    ^bb0(%while3A_1809: vector<1x512xf32>, %while3A_1810: i1):
      %get3A_1811 = arith.constant 0 : index
      %get3A_1812 = arith.constant 0 : index
      %get3A_1813 = vector.load %arg6[%get3A_1811, %get3A_1812] : memref<512x512xf32, #tpu.memory_space<vmem>>, vector<512x512xf32>
      %dot_general3A_1814 = arith.constant dense<0.000000e+00> : vector<1x512xf32>
      %dot_general3A_1815 = tpu.matmul %while3A_1809, %get3A_1813, %dot_general3A_1814 {dimension_numbers = #tpu.dot_dimension_numbers<[1], [0], [0], [1], [0, 0, 1, 1], [], []>, transpose_lhs_hint = false} : vector<1x512xf32>, vector<512x512xf32>, vector<1x512xf32> -> vector<1x512xf32>
      %eq3A_1816 = arith.constant 0.000000e+00 : f32
      %eq3A_1817 = vector.broadcast %eq3A_1816 : f32 to vector<1x512xf32>
      %eq3A_1818 = arith.cmpf oeq, %dot_general3A_1815, %eq3A_1817 : vector<1x512xf32>
      %jit3A_1819 = arith.constant 0.000000e+00 : f32
      %broadcast_in_dim3A_1820 = vector.broadcast %jit3A_1819 : f32 to vector<1x512xf32>
      %select_n3A_1821 = arith.select %eq3A_1818, %select_n3A_1294, %broadcast_in_dim3A_1820 : vector<1x512xi1>, vector<1x512xf32>
      %ne3A = arith.cmpf one, %select_n3A_1821, %while3A_1809 : vector<1x512xf32>
      %reduce_or3A = arith.constant 1.000000e+00 : f32
      %reduce_or3A_1822 = arith.constant 0.000000e+00 : f32
      %reduce_or3A_1823 = vector.broadcast %reduce_or3A : f32 to vector<1x512xf32>
      %reduce_or3A_1824 = vector.broadcast %reduce_or3A_1822 : f32 to vector<1x512xf32>
      %reduce_or3A_1825 = arith.select %ne3A, %reduce_or3A_1823, %reduce_or3A_1824 : vector<1x512xi1>, vector<1x512xf32>
      %reduce_or3A_1826 = vector.shape_cast %reduce_or3A_1825 : vector<1x512xf32> to vector<1x1x512xf32>
      %reduce_or3A_1827 = arith.constant dense<0xFF800000> : vector<1xf32>
      %reduce_or3A_1828 = vector.multi_reduction <maximumf>, %reduce_or3A_1826, %reduce_or3A_1827 [1, 2] : vector<1x1x512xf32> to vector<1xf32>
      %reduce_or3A_1829 = vector.shape_cast %reduce_or3A_1828 : vector<1xf32> to vector<1x1x1xf32>
      %reduce_or3A_1830 = vector.extract %reduce_or3A_1829[0, 0, 0] : f32 from vector<1x1x1xf32>
      %reduce_or3A_1831 = arith.constant 0.000000e+00 : f32
      %reduce_or3A_1832 = arith.cmpf ogt, %reduce_or3A_1830, %reduce_or3A_1831 : f32
      scf.yield %select_n3A_1821, %reduce_or3A_1832 : vector<1x512xf32>, i1
    }
    %get3A_1379 = arith.constant 3584 : index
    %get3A_1380 = arith.constant 0 : index
    %get3A_1381 = vector.load %arg0[%get3A_1379, %get3A_1380] : memref<5120x4xf32, #tpu.memory_space<vmem>>, vector<512x1xf32>
    %get3A_1382 = arith.constant 3584 : index
    %get3A_1383 = arith.constant 1 : index
    %get3A_1384 = vector.load %arg0[%get3A_1382, %get3A_1383] : memref<5120x4xf32, #tpu.memory_space<vmem>>, vector<512x1xf32>
    %get3A_1385 = arith.constant 3584 : index
    %get3A_1386 = arith.constant 2 : index
    %get3A_1387 = vector.load %arg0[%get3A_1385, %get3A_1386] : memref<5120x4xf32, #tpu.memory_space<vmem>>, vector<512x1xf32>
    %get3A_1388 = arith.constant 3584 : index
    %get3A_1389 = arith.constant 3 : index
    %get3A_1390 = vector.load %arg0[%get3A_1388, %get3A_1389] : memref<5120x4xf32, #tpu.memory_space<vmem>>, vector<512x1xf32>
    %sub3A_1391 = arith.subf %get3A_1387, %get3A_1381 : vector<512x1xf32>
    %sub3A_1392 = arith.subf %get3A_1390, %get3A_1384 : vector<512x1xf32>
    %mul3A_1393 = arith.mulf %sub3A_1391, %sub3A_1392 : vector<512x1xf32>
    %get3A_1394 = arith.constant 0 : index
    %get3A_1395 = arith.constant 4096 : index
    %get3A_1396 = vector.load %arg1[%get3A_1394, %get3A_1395] : memref<4x5120xf32, #tpu.memory_space<vmem>>, vector<1x1024xf32>
    %get3A_1397 = arith.constant 1 : index
    %get3A_1398 = arith.constant 4096 : index
    %get3A_1399 = vector.load %arg1[%get3A_1397, %get3A_1398] : memref<4x5120xf32, #tpu.memory_space<vmem>>, vector<1x1024xf32>
    %get3A_1400 = arith.constant 2 : index
    %get3A_1401 = arith.constant 4096 : index
    %get3A_1402 = vector.load %arg1[%get3A_1400, %get3A_1401] : memref<4x5120xf32, #tpu.memory_space<vmem>>, vector<1x1024xf32>
    %get3A_1403 = arith.constant 3 : index
    %get3A_1404 = arith.constant 4096 : index
    %get3A_1405 = vector.load %arg1[%get3A_1403, %get3A_1404] : memref<4x5120xf32, #tpu.memory_space<vmem>>, vector<1x1024xf32>
    %sub3A_1406 = arith.subf %get3A_1402, %get3A_1396 : vector<1x1024xf32>
    %sub3A_1407 = arith.subf %get3A_1405, %get3A_1399 : vector<1x1024xf32>
    %mul3A_1408 = arith.mulf %sub3A_1406, %sub3A_1407 : vector<1x1024xf32>
    %min3A_1409 = vector.broadcast %get3A_1387 : vector<512x1xf32> to vector<512x1024xf32>
    %min3A_1410 = vector.broadcast %get3A_1402 : vector<1x1024xf32> to vector<512x1024xf32>
    %min3A_1411 = arith.minimumf %min3A_1409, %min3A_1410 : vector<512x1024xf32>
    %max3A_1412 = vector.broadcast %get3A_1381 : vector<512x1xf32> to vector<512x1024xf32>
    %max3A_1413 = vector.broadcast %get3A_1396 : vector<1x1024xf32> to vector<512x1024xf32>
    %max3A_1414 = arith.maximumf %max3A_1412, %max3A_1413 : vector<512x1024xf32>
    %sub3A_1415 = arith.subf %min3A_1411, %max3A_1414 : vector<512x1024xf32>
    %jit3A_1416 = arith.constant 0.000000e+00 : f32
    %max3A_1417 = vector.broadcast %jit3A_1416 : f32 to vector<512x1024xf32>
    %max3A_1418 = arith.maximumf %max3A_1417, %sub3A_1415 : vector<512x1024xf32>
    %min3A_1419 = vector.broadcast %get3A_1390 : vector<512x1xf32> to vector<512x1024xf32>
    %min3A_1420 = vector.broadcast %get3A_1405 : vector<1x1024xf32> to vector<512x1024xf32>
    %min3A_1421 = arith.minimumf %min3A_1419, %min3A_1420 : vector<512x1024xf32>
    %max3A_1422 = vector.broadcast %get3A_1384 : vector<512x1xf32> to vector<512x1024xf32>
    %max3A_1423 = vector.broadcast %get3A_1399 : vector<1x1024xf32> to vector<512x1024xf32>
    %max3A_1424 = arith.maximumf %max3A_1422, %max3A_1423 : vector<512x1024xf32>
    %sub3A_1425 = arith.subf %min3A_1421, %max3A_1424 : vector<512x1024xf32>
    %jit3A_1426 = arith.constant 0.000000e+00 : f32
    %max3A_1427 = vector.broadcast %jit3A_1426 : f32 to vector<512x1024xf32>
    %max3A_1428 = arith.maximumf %max3A_1427, %sub3A_1425 : vector<512x1024xf32>
    %mul3A_1429 = arith.mulf %max3A_1418, %max3A_1428 : vector<512x1024xf32>
    %add3A_1430 = vector.broadcast %mul3A_1393 : vector<512x1xf32> to vector<512x1024xf32>
    %add3A_1431 = vector.broadcast %mul3A_1408 : vector<1x1024xf32> to vector<512x1024xf32>
    %add3A_1432 = arith.addf %add3A_1430, %add3A_1431 : vector<512x1024xf32>
    %sub3A_1433 = arith.subf %add3A_1432, %mul3A_1429 : vector<512x1024xf32>
    %max3A_1434 = arith.constant 9.99999993E-9 : f32
    %max3A_1435 = vector.broadcast %max3A_1434 : f32 to vector<512x1024xf32>
    %max3A_1436 = arith.maximumf %sub3A_1433, %max3A_1435 : vector<512x1024xf32>
    %div3A_1437 = arith.divf %mul3A_1429, %max3A_1436 : vector<512x1024xf32>
    %gt3A_1438 = arith.constant 5.000000e-01 : f32
    %gt3A_1439 = vector.broadcast %gt3A_1438 : f32 to vector<512x1024xf32>
    %gt3A_1440 = arith.cmpf ogt, %div3A_1437, %gt3A_1439 : vector<512x1024xf32>
    %convert_element_type3A_1441 = arith.extui %gt3A_1440 : vector<512x1024xi1> to vector<512x1024xi32>
    %convert_element_type3A_1442 = arith.sitofp %convert_element_type3A_1441 : vector<512x1024xi32> to vector<512x1024xf32>
    %dot_general3A_1443 = arith.constant dense<0.000000e+00> : vector<1x1024xf32>
    %dot_general3A_1444 = tpu.matmul %while3A_1378#0, %convert_element_type3A_1442, %dot_general3A_1443 {dimension_numbers = #tpu.dot_dimension_numbers<[1], [0], [0], [1], [0, 0, 1, 1], [], []>, transpose_lhs_hint = false} : vector<1x512xf32>, vector<512x1024xf32>, vector<1x1024xf32> -> vector<1x1024xf32>
    %slice3A_1445 = vector.extract_strided_slice %dot_general3A_1444 {offsets = [0, 0], sizes = [1, 512], strides = [1, 1]} : vector<1x1024xf32> to vector<1x512xf32>
    %eq3A_1446 = arith.constant 0.000000e+00 : f32
    %eq3A_1447 = vector.broadcast %eq3A_1446 : f32 to vector<1x512xf32>
    %eq3A_1448 = arith.cmpf oeq, %slice3A_1445, %eq3A_1447 : vector<1x512xf32>
    %jit3A_1449 = arith.constant 0.000000e+00 : f32
    %broadcast_in_dim3A_1450 = vector.broadcast %jit3A_1449 : f32 to vector<1x512xf32>
    %select_n3A_1451 = arith.select %eq3A_1448, %select_n3A_1301, %broadcast_in_dim3A_1450 : vector<1x512xi1>, vector<1x512xf32>
    %slice3A_1452 = vector.extract_strided_slice %dot_general3A_1444 {offsets = [0, 512], sizes = [1, 512], strides = [1, 1]} : vector<1x1024xf32> to vector<1x512xf32>
    %eq3A_1453 = arith.constant 0.000000e+00 : f32
    %eq3A_1454 = vector.broadcast %eq3A_1453 : f32 to vector<1x512xf32>
    %eq3A_1455 = arith.cmpf oeq, %slice3A_1452, %eq3A_1454 : vector<1x512xf32>
    %jit3A_1456 = arith.constant 0.000000e+00 : f32
    %broadcast_in_dim3A_1457 = vector.broadcast %jit3A_1456 : f32 to vector<1x512xf32>
    %select_n3A_1458 = arith.select %eq3A_1455, %select_n3A_1308, %broadcast_in_dim3A_1457 : vector<1x512xi1>, vector<1x512xf32>
    %get3A_1459 = arith.constant 4096 : index
    %get3A_1460 = arith.constant 0 : index
    %get3A_1461 = vector.load %arg0[%get3A_1459, %get3A_1460] : memref<5120x4xf32, #tpu.memory_space<vmem>>, vector<512x1xf32>
    %get3A_1462 = arith.constant 4096 : index
    %get3A_1463 = arith.constant 1 : index
    %get3A_1464 = vector.load %arg0[%get3A_1462, %get3A_1463] : memref<5120x4xf32, #tpu.memory_space<vmem>>, vector<512x1xf32>
    %get3A_1465 = arith.constant 4096 : index
    %get3A_1466 = arith.constant 2 : index
    %get3A_1467 = vector.load %arg0[%get3A_1465, %get3A_1466] : memref<5120x4xf32, #tpu.memory_space<vmem>>, vector<512x1xf32>
    %get3A_1468 = arith.constant 4096 : index
    %get3A_1469 = arith.constant 3 : index
    %get3A_1470 = vector.load %arg0[%get3A_1468, %get3A_1469] : memref<5120x4xf32, #tpu.memory_space<vmem>>, vector<512x1xf32>
    %sub3A_1471 = arith.subf %get3A_1467, %get3A_1461 : vector<512x1xf32>
    %sub3A_1472 = arith.subf %get3A_1470, %get3A_1464 : vector<512x1xf32>
    %mul3A_1473 = arith.mulf %sub3A_1471, %sub3A_1472 : vector<512x1xf32>
    %get3A_1474 = arith.constant 0 : index
    %get3A_1475 = arith.constant 4096 : index
    %get3A_1476 = vector.load %arg1[%get3A_1474, %get3A_1475] : memref<4x5120xf32, #tpu.memory_space<vmem>>, vector<1x512xf32>
    %get3A_1477 = arith.constant 1 : index
    %get3A_1478 = arith.constant 4096 : index
    %get3A_1479 = vector.load %arg1[%get3A_1477, %get3A_1478] : memref<4x5120xf32, #tpu.memory_space<vmem>>, vector<1x512xf32>
    %get3A_1480 = arith.constant 2 : index
    %get3A_1481 = arith.constant 4096 : index
    %get3A_1482 = vector.load %arg1[%get3A_1480, %get3A_1481] : memref<4x5120xf32, #tpu.memory_space<vmem>>, vector<1x512xf32>
    %get3A_1483 = arith.constant 3 : index
    %get3A_1484 = arith.constant 4096 : index
    %get3A_1485 = vector.load %arg1[%get3A_1483, %get3A_1484] : memref<4x5120xf32, #tpu.memory_space<vmem>>, vector<1x512xf32>
    %sub3A_1486 = arith.subf %get3A_1482, %get3A_1476 : vector<1x512xf32>
    %sub3A_1487 = arith.subf %get3A_1485, %get3A_1479 : vector<1x512xf32>
    %mul3A_1488 = arith.mulf %sub3A_1486, %sub3A_1487 : vector<1x512xf32>
    %min3A_1489 = vector.broadcast %get3A_1467 : vector<512x1xf32> to vector<512x512xf32>
    %min3A_1490 = vector.broadcast %get3A_1482 : vector<1x512xf32> to vector<512x512xf32>
    %min3A_1491 = arith.minimumf %min3A_1489, %min3A_1490 : vector<512x512xf32>
    %max3A_1492 = vector.broadcast %get3A_1461 : vector<512x1xf32> to vector<512x512xf32>
    %max3A_1493 = vector.broadcast %get3A_1476 : vector<1x512xf32> to vector<512x512xf32>
    %max3A_1494 = arith.maximumf %max3A_1492, %max3A_1493 : vector<512x512xf32>
    %sub3A_1495 = arith.subf %min3A_1491, %max3A_1494 : vector<512x512xf32>
    %jit3A_1496 = arith.constant 0.000000e+00 : f32
    %max3A_1497 = vector.broadcast %jit3A_1496 : f32 to vector<512x512xf32>
    %max3A_1498 = arith.maximumf %max3A_1497, %sub3A_1495 : vector<512x512xf32>
    %min3A_1499 = vector.broadcast %get3A_1470 : vector<512x1xf32> to vector<512x512xf32>
    %min3A_1500 = vector.broadcast %get3A_1485 : vector<1x512xf32> to vector<512x512xf32>
    %min3A_1501 = arith.minimumf %min3A_1499, %min3A_1500 : vector<512x512xf32>
    %max3A_1502 = vector.broadcast %get3A_1464 : vector<512x1xf32> to vector<512x512xf32>
    %max3A_1503 = vector.broadcast %get3A_1479 : vector<1x512xf32> to vector<512x512xf32>
    %max3A_1504 = arith.maximumf %max3A_1502, %max3A_1503 : vector<512x512xf32>
    %sub3A_1505 = arith.subf %min3A_1501, %max3A_1504 : vector<512x512xf32>
    %jit3A_1506 = arith.constant 0.000000e+00 : f32
    %max3A_1507 = vector.broadcast %jit3A_1506 : f32 to vector<512x512xf32>
    %max3A_1508 = arith.maximumf %max3A_1507, %sub3A_1505 : vector<512x512xf32>
    %mul3A_1509 = arith.mulf %max3A_1498, %max3A_1508 : vector<512x512xf32>
    %add3A_1510 = vector.broadcast %mul3A_1473 : vector<512x1xf32> to vector<512x512xf32>
    %add3A_1511 = vector.broadcast %mul3A_1488 : vector<1x512xf32> to vector<512x512xf32>
    %add3A_1512 = arith.addf %add3A_1510, %add3A_1511 : vector<512x512xf32>
    %sub3A_1513 = arith.subf %add3A_1512, %mul3A_1509 : vector<512x512xf32>
    %max3A_1514 = arith.constant 9.99999993E-9 : f32
    %max3A_1515 = vector.broadcast %max3A_1514 : f32 to vector<512x512xf32>
    %max3A_1516 = arith.maximumf %sub3A_1513, %max3A_1515 : vector<512x512xf32>
    %div3A_1517 = arith.divf %mul3A_1509, %max3A_1516 : vector<512x512xf32>
    %gt3A_1518 = arith.constant 5.000000e-01 : f32
    %gt3A_1519 = vector.broadcast %gt3A_1518 : f32 to vector<512x512xf32>
    %gt3A_1520 = arith.cmpf ogt, %div3A_1517, %gt3A_1519 : vector<512x512xf32>
    %and3A_1521 = arith.andi %gt3A_1520, %lt3A : vector<512x512xi1>
    %convert_element_type3A_1522 = arith.extui %and3A_1521 : vector<512x512xi1> to vector<512x512xi32>
    %convert_element_type3A_1523 = arith.sitofp %convert_element_type3A_1522 : vector<512x512xi32> to vector<512x512xf32>
    %swap3A_1524 = arith.constant 0 : index
    %swap3A_1525 = arith.constant 0 : index
    %swap3A_1526 = vector.load %arg6[%swap3A_1524, %swap3A_1525] : memref<512x512xf32, #tpu.memory_space<vmem>>, vector<512x512xf32>
    tpu.vector_store %arg6[%swap3A_1524, %swap3A_1525], %convert_element_type3A_1523 {strides = array<i32>} : memref<512x512xf32, #tpu.memory_space<vmem>>, vector<512x512xf32>,
    %while3A_1527 = arith.constant true
    %while3A_1528:2 = scf.while (%while3A_1809 = %select_n3A_1451, %while3A_1810 = %while3A_1527) : (vector<1x512xf32>, i1) -> (vector<1x512xf32>, i1) {
      scf.condition(%while3A_1810) %while3A_1809, %while3A_1810 : vector<1x512xf32>, i1
    } do {
    ^bb0(%while3A_1809: vector<1x512xf32>, %while3A_1810: i1):
      %get3A_1811 = arith.constant 0 : index
      %get3A_1812 = arith.constant 0 : index
      %get3A_1813 = vector.load %arg6[%get3A_1811, %get3A_1812] : memref<512x512xf32, #tpu.memory_space<vmem>>, vector<512x512xf32>
      %dot_general3A_1814 = arith.constant dense<0.000000e+00> : vector<1x512xf32>
      %dot_general3A_1815 = tpu.matmul %while3A_1809, %get3A_1813, %dot_general3A_1814 {dimension_numbers = #tpu.dot_dimension_numbers<[1], [0], [0], [1], [0, 0, 1, 1], [], []>, transpose_lhs_hint = false} : vector<1x512xf32>, vector<512x512xf32>, vector<1x512xf32> -> vector<1x512xf32>
      %eq3A_1816 = arith.constant 0.000000e+00 : f32
      %eq3A_1817 = vector.broadcast %eq3A_1816 : f32 to vector<1x512xf32>
      %eq3A_1818 = arith.cmpf oeq, %dot_general3A_1815, %eq3A_1817 : vector<1x512xf32>
      %jit3A_1819 = arith.constant 0.000000e+00 : f32
      %broadcast_in_dim3A_1820 = vector.broadcast %jit3A_1819 : f32 to vector<1x512xf32>
      %select_n3A_1821 = arith.select %eq3A_1818, %select_n3A_1451, %broadcast_in_dim3A_1820 : vector<1x512xi1>, vector<1x512xf32>
      %ne3A = arith.cmpf one, %select_n3A_1821, %while3A_1809 : vector<1x512xf32>
      %reduce_or3A = arith.constant 1.000000e+00 : f32
      %reduce_or3A_1822 = arith.constant 0.000000e+00 : f32
      %reduce_or3A_1823 = vector.broadcast %reduce_or3A : f32 to vector<1x512xf32>
      %reduce_or3A_1824 = vector.broadcast %reduce_or3A_1822 : f32 to vector<1x512xf32>
      %reduce_or3A_1825 = arith.select %ne3A, %reduce_or3A_1823, %reduce_or3A_1824 : vector<1x512xi1>, vector<1x512xf32>
      %reduce_or3A_1826 = vector.shape_cast %reduce_or3A_1825 : vector<1x512xf32> to vector<1x1x512xf32>
      %reduce_or3A_1827 = arith.constant dense<0xFF800000> : vector<1xf32>
      %reduce_or3A_1828 = vector.multi_reduction <maximumf>, %reduce_or3A_1826, %reduce_or3A_1827 [1, 2] : vector<1x1x512xf32> to vector<1xf32>
      %reduce_or3A_1829 = vector.shape_cast %reduce_or3A_1828 : vector<1xf32> to vector<1x1x1xf32>
      %reduce_or3A_1830 = vector.extract %reduce_or3A_1829[0, 0, 0] : f32 from vector<1x1x1xf32>
      %reduce_or3A_1831 = arith.constant 0.000000e+00 : f32
      %reduce_or3A_1832 = arith.cmpf ogt, %reduce_or3A_1830, %reduce_or3A_1831 : f32
      scf.yield %select_n3A_1821, %reduce_or3A_1832 : vector<1x512xf32>, i1
    }
    %get3A_1529 = arith.constant 4096 : index
    %get3A_1530 = arith.constant 0 : index
    %get3A_1531 = vector.load %arg0[%get3A_1529, %get3A_1530] : memref<5120x4xf32, #tpu.memory_space<vmem>>, vector<512x1xf32>
    %get3A_1532 = arith.constant 4096 : index
    %get3A_1533 = arith.constant 1 : index
    %get3A_1534 = vector.load %arg0[%get3A_1532, %get3A_1533] : memref<5120x4xf32, #tpu.memory_space<vmem>>, vector<512x1xf32>
    %get3A_1535 = arith.constant 4096 : index
    %get3A_1536 = arith.constant 2 : index
    %get3A_1537 = vector.load %arg0[%get3A_1535, %get3A_1536] : memref<5120x4xf32, #tpu.memory_space<vmem>>, vector<512x1xf32>
    %get3A_1538 = arith.constant 4096 : index
    %get3A_1539 = arith.constant 3 : index
    %get3A_1540 = vector.load %arg0[%get3A_1538, %get3A_1539] : memref<5120x4xf32, #tpu.memory_space<vmem>>, vector<512x1xf32>
    %sub3A_1541 = arith.subf %get3A_1537, %get3A_1531 : vector<512x1xf32>
    %sub3A_1542 = arith.subf %get3A_1540, %get3A_1534 : vector<512x1xf32>
    %mul3A_1543 = arith.mulf %sub3A_1541, %sub3A_1542 : vector<512x1xf32>
    %get3A_1544 = arith.constant 0 : index
    %get3A_1545 = arith.constant 4608 : index
    %get3A_1546 = vector.load %arg1[%get3A_1544, %get3A_1545] : memref<4x5120xf32, #tpu.memory_space<vmem>>, vector<1x512xf32>
    %get3A_1547 = arith.constant 1 : index
    %get3A_1548 = arith.constant 4608 : index
    %get3A_1549 = vector.load %arg1[%get3A_1547, %get3A_1548] : memref<4x5120xf32, #tpu.memory_space<vmem>>, vector<1x512xf32>
    %get3A_1550 = arith.constant 2 : index
    %get3A_1551 = arith.constant 4608 : index
    %get3A_1552 = vector.load %arg1[%get3A_1550, %get3A_1551] : memref<4x5120xf32, #tpu.memory_space<vmem>>, vector<1x512xf32>
    %get3A_1553 = arith.constant 3 : index
    %get3A_1554 = arith.constant 4608 : index
    %get3A_1555 = vector.load %arg1[%get3A_1553, %get3A_1554] : memref<4x5120xf32, #tpu.memory_space<vmem>>, vector<1x512xf32>
    %sub3A_1556 = arith.subf %get3A_1552, %get3A_1546 : vector<1x512xf32>
    %sub3A_1557 = arith.subf %get3A_1555, %get3A_1549 : vector<1x512xf32>
    %mul3A_1558 = arith.mulf %sub3A_1556, %sub3A_1557 : vector<1x512xf32>
    %min3A_1559 = vector.broadcast %get3A_1537 : vector<512x1xf32> to vector<512x512xf32>
    %min3A_1560 = vector.broadcast %get3A_1552 : vector<1x512xf32> to vector<512x512xf32>
    %min3A_1561 = arith.minimumf %min3A_1559, %min3A_1560 : vector<512x512xf32>
    %max3A_1562 = vector.broadcast %get3A_1531 : vector<512x1xf32> to vector<512x512xf32>
    %max3A_1563 = vector.broadcast %get3A_1546 : vector<1x512xf32> to vector<512x512xf32>
    %max3A_1564 = arith.maximumf %max3A_1562, %max3A_1563 : vector<512x512xf32>
    %sub3A_1565 = arith.subf %min3A_1561, %max3A_1564 : vector<512x512xf32>
    %jit3A_1566 = arith.constant 0.000000e+00 : f32
    %max3A_1567 = vector.broadcast %jit3A_1566 : f32 to vector<512x512xf32>
    %max3A_1568 = arith.maximumf %max3A_1567, %sub3A_1565 : vector<512x512xf32>
    %min3A_1569 = vector.broadcast %get3A_1540 : vector<512x1xf32> to vector<512x512xf32>
    %min3A_1570 = vector.broadcast %get3A_1555 : vector<1x512xf32> to vector<512x512xf32>
    %min3A_1571 = arith.minimumf %min3A_1569, %min3A_1570 : vector<512x512xf32>
    %max3A_1572 = vector.broadcast %get3A_1534 : vector<512x1xf32> to vector<512x512xf32>
    %max3A_1573 = vector.broadcast %get3A_1549 : vector<1x512xf32> to vector<512x512xf32>
    %max3A_1574 = arith.maximumf %max3A_1572, %max3A_1573 : vector<512x512xf32>
    %sub3A_1575 = arith.subf %min3A_1571, %max3A_1574 : vector<512x512xf32>
    %jit3A_1576 = arith.constant 0.000000e+00 : f32
    %max3A_1577 = vector.broadcast %jit3A_1576 : f32 to vector<512x512xf32>
    %max3A_1578 = arith.maximumf %max3A_1577, %sub3A_1575 : vector<512x512xf32>
    %mul3A_1579 = arith.mulf %max3A_1568, %max3A_1578 : vector<512x512xf32>
    %add3A_1580 = vector.broadcast %mul3A_1543 : vector<512x1xf32> to vector<512x512xf32>
    %add3A_1581 = vector.broadcast %mul3A_1558 : vector<1x512xf32> to vector<512x512xf32>
    %add3A_1582 = arith.addf %add3A_1580, %add3A_1581 : vector<512x512xf32>
    %sub3A_1583 = arith.subf %add3A_1582, %mul3A_1579 : vector<512x512xf32>
    %max3A_1584 = arith.constant 9.99999993E-9 : f32
    %max3A_1585 = vector.broadcast %max3A_1584 : f32 to vector<512x512xf32>
    %max3A_1586 = arith.maximumf %sub3A_1583, %max3A_1585 : vector<512x512xf32>
    %div3A_1587 = arith.divf %mul3A_1579, %max3A_1586 : vector<512x512xf32>
    %gt3A_1588 = arith.constant 5.000000e-01 : f32
    %gt3A_1589 = vector.broadcast %gt3A_1588 : f32 to vector<512x512xf32>
    %gt3A_1590 = arith.cmpf ogt, %div3A_1587, %gt3A_1589 : vector<512x512xf32>
    %convert_element_type3A_1591 = arith.extui %gt3A_1590 : vector<512x512xi1> to vector<512x512xi32>
    %convert_element_type3A_1592 = arith.sitofp %convert_element_type3A_1591 : vector<512x512xi32> to vector<512x512xf32>
    %dot_general3A_1593 = arith.constant dense<0.000000e+00> : vector<1x512xf32>
    %dot_general3A_1594 = tpu.matmul %while3A_1528#0, %convert_element_type3A_1592, %dot_general3A_1593 {dimension_numbers = #tpu.dot_dimension_numbers<[1], [0], [0], [1], [0, 0, 1, 1], [], []>, transpose_lhs_hint = false} : vector<1x512xf32>, vector<512x512xf32>, vector<1x512xf32> -> vector<1x512xf32>
    %eq3A_1595 = arith.constant 0.000000e+00 : f32
    %eq3A_1596 = vector.broadcast %eq3A_1595 : f32 to vector<1x512xf32>
    %eq3A_1597 = arith.cmpf oeq, %dot_general3A_1594, %eq3A_1596 : vector<1x512xf32>
    %jit3A_1598 = arith.constant 0.000000e+00 : f32
    %broadcast_in_dim3A_1599 = vector.broadcast %jit3A_1598 : f32 to vector<1x512xf32>
    %select_n3A_1600 = arith.select %eq3A_1597, %select_n3A_1458, %broadcast_in_dim3A_1599 : vector<1x512xi1>, vector<1x512xf32>
    %get3A_1601 = arith.constant 4608 : index
    %get3A_1602 = arith.constant 0 : index
    %get3A_1603 = vector.load %arg0[%get3A_1601, %get3A_1602] : memref<5120x4xf32, #tpu.memory_space<vmem>>, vector<512x1xf32>
    %get3A_1604 = arith.constant 4608 : index
    %get3A_1605 = arith.constant 1 : index
    %get3A_1606 = vector.load %arg0[%get3A_1604, %get3A_1605] : memref<5120x4xf32, #tpu.memory_space<vmem>>, vector<512x1xf32>
    %get3A_1607 = arith.constant 4608 : index
    %get3A_1608 = arith.constant 2 : index
    %get3A_1609 = vector.load %arg0[%get3A_1607, %get3A_1608] : memref<5120x4xf32, #tpu.memory_space<vmem>>, vector<512x1xf32>
    %get3A_1610 = arith.constant 4608 : index
    %get3A_1611 = arith.constant 3 : index
    %get3A_1612 = vector.load %arg0[%get3A_1610, %get3A_1611] : memref<5120x4xf32, #tpu.memory_space<vmem>>, vector<512x1xf32>
    %sub3A_1613 = arith.subf %get3A_1609, %get3A_1603 : vector<512x1xf32>
    %sub3A_1614 = arith.subf %get3A_1612, %get3A_1606 : vector<512x1xf32>
    %mul3A_1615 = arith.mulf %sub3A_1613, %sub3A_1614 : vector<512x1xf32>
    %get3A_1616 = arith.constant 0 : index
    %get3A_1617 = arith.constant 4608 : index
    %get3A_1618 = vector.load %arg1[%get3A_1616, %get3A_1617] : memref<4x5120xf32, #tpu.memory_space<vmem>>, vector<1x512xf32>
    %get3A_1619 = arith.constant 1 : index
    %get3A_1620 = arith.constant 4608 : index
    %get3A_1621 = vector.load %arg1[%get3A_1619, %get3A_1620] : memref<4x5120xf32, #tpu.memory_space<vmem>>, vector<1x512xf32>
    %get3A_1622 = arith.constant 2 : index
    %get3A_1623 = arith.constant 4608 : index
    %get3A_1624 = vector.load %arg1[%get3A_1622, %get3A_1623] : memref<4x5120xf32, #tpu.memory_space<vmem>>, vector<1x512xf32>
    %get3A_1625 = arith.constant 3 : index
    %get3A_1626 = arith.constant 4608 : index
    %get3A_1627 = vector.load %arg1[%get3A_1625, %get3A_1626] : memref<4x5120xf32, #tpu.memory_space<vmem>>, vector<1x512xf32>
    %sub3A_1628 = arith.subf %get3A_1624, %get3A_1618 : vector<1x512xf32>
    %sub3A_1629 = arith.subf %get3A_1627, %get3A_1621 : vector<1x512xf32>
    %mul3A_1630 = arith.mulf %sub3A_1628, %sub3A_1629 : vector<1x512xf32>
    %min3A_1631 = vector.broadcast %get3A_1609 : vector<512x1xf32> to vector<512x512xf32>
    %min3A_1632 = vector.broadcast %get3A_1624 : vector<1x512xf32> to vector<512x512xf32>
    %min3A_1633 = arith.minimumf %min3A_1631, %min3A_1632 : vector<512x512xf32>
    %max3A_1634 = vector.broadcast %get3A_1603 : vector<512x1xf32> to vector<512x512xf32>
    %max3A_1635 = vector.broadcast %get3A_1618 : vector<1x512xf32> to vector<512x512xf32>
    %max3A_1636 = arith.maximumf %max3A_1634, %max3A_1635 : vector<512x512xf32>
    %sub3A_1637 = arith.subf %min3A_1633, %max3A_1636 : vector<512x512xf32>
    %jit3A_1638 = arith.constant 0.000000e+00 : f32
    %max3A_1639 = vector.broadcast %jit3A_1638 : f32 to vector<512x512xf32>
    %max3A_1640 = arith.maximumf %max3A_1639, %sub3A_1637 : vector<512x512xf32>
    %min3A_1641 = vector.broadcast %get3A_1612 : vector<512x1xf32> to vector<512x512xf32>
    %min3A_1642 = vector.broadcast %get3A_1627 : vector<1x512xf32> to vector<512x512xf32>
    %min3A_1643 = arith.minimumf %min3A_1641, %min3A_1642 : vector<512x512xf32>
    %max3A_1644 = vector.broadcast %get3A_1606 : vector<512x1xf32> to vector<512x512xf32>
    %max3A_1645 = vector.broadcast %get3A_1621 : vector<1x512xf32> to vector<512x512xf32>
    %max3A_1646 = arith.maximumf %max3A_1644, %max3A_1645 : vector<512x512xf32>
    %sub3A_1647 = arith.subf %min3A_1643, %max3A_1646 : vector<512x512xf32>
    %jit3A_1648 = arith.constant 0.000000e+00 : f32
    %max3A_1649 = vector.broadcast %jit3A_1648 : f32 to vector<512x512xf32>
    %max3A_1650 = arith.maximumf %max3A_1649, %sub3A_1647 : vector<512x512xf32>
    %mul3A_1651 = arith.mulf %max3A_1640, %max3A_1650 : vector<512x512xf32>
    %add3A_1652 = vector.broadcast %mul3A_1615 : vector<512x1xf32> to vector<512x512xf32>
    %add3A_1653 = vector.broadcast %mul3A_1630 : vector<1x512xf32> to vector<512x512xf32>
    %add3A_1654 = arith.addf %add3A_1652, %add3A_1653 : vector<512x512xf32>
    %sub3A_1655 = arith.subf %add3A_1654, %mul3A_1651 : vector<512x512xf32>
    %max3A_1656 = arith.constant 9.99999993E-9 : f32
    %max3A_1657 = vector.broadcast %max3A_1656 : f32 to vector<512x512xf32>
    %max3A_1658 = arith.maximumf %sub3A_1655, %max3A_1657 : vector<512x512xf32>
    %div3A_1659 = arith.divf %mul3A_1651, %max3A_1658 : vector<512x512xf32>
    %gt3A_1660 = arith.constant 5.000000e-01 : f32
    %gt3A_1661 = vector.broadcast %gt3A_1660 : f32 to vector<512x512xf32>
    %gt3A_1662 = arith.cmpf ogt, %div3A_1659, %gt3A_1661 : vector<512x512xf32>
    %and3A_1663 = arith.andi %gt3A_1662, %lt3A : vector<512x512xi1>
    %convert_element_type3A_1664 = arith.extui %and3A_1663 : vector<512x512xi1> to vector<512x512xi32>
    %convert_element_type3A_1665 = arith.sitofp %convert_element_type3A_1664 : vector<512x512xi32> to vector<512x512xf32>
    %swap3A_1666 = arith.constant 0 : index
    %swap3A_1667 = arith.constant 0 : index
    %swap3A_1668 = vector.load %arg6[%swap3A_1666, %swap3A_1667] : memref<512x512xf32, #tpu.memory_space<vmem>>, vector<512x512xf32>
    tpu.vector_store %arg6[%swap3A_1666, %swap3A_1667], %convert_element_type3A_1665 {strides = array<i32>} : memref<512x512xf32, #tpu.memory_space<vmem>>, vector<512x512xf32>,
    %while3A_1669 = arith.constant true
    %while3A_1670:2 = scf.while (%while3A_1809 = %select_n3A_1600, %while3A_1810 = %while3A_1669) : (vector<1x512xf32>, i1) -> (vector<1x512xf32>, i1) {
      scf.condition(%while3A_1810) %while3A_1809, %while3A_1810 : vector<1x512xf32>, i1
    } do {
    ^bb0(%while3A_1809: vector<1x512xf32>, %while3A_1810: i1):
      %get3A_1811 = arith.constant 0 : index
      %get3A_1812 = arith.constant 0 : index
      %get3A_1813 = vector.load %arg6[%get3A_1811, %get3A_1812] : memref<512x512xf32, #tpu.memory_space<vmem>>, vector<512x512xf32>
      %dot_general3A_1814 = arith.constant dense<0.000000e+00> : vector<1x512xf32>
      %dot_general3A_1815 = tpu.matmul %while3A_1809, %get3A_1813, %dot_general3A_1814 {dimension_numbers = #tpu.dot_dimension_numbers<[1], [0], [0], [1], [0, 0, 1, 1], [], []>, transpose_lhs_hint = false} : vector<1x512xf32>, vector<512x512xf32>, vector<1x512xf32> -> vector<1x512xf32>
      %eq3A_1816 = arith.constant 0.000000e+00 : f32
      %eq3A_1817 = vector.broadcast %eq3A_1816 : f32 to vector<1x512xf32>
      %eq3A_1818 = arith.cmpf oeq, %dot_general3A_1815, %eq3A_1817 : vector<1x512xf32>
      %jit3A_1819 = arith.constant 0.000000e+00 : f32
      %broadcast_in_dim3A_1820 = vector.broadcast %jit3A_1819 : f32 to vector<1x512xf32>
      %select_n3A_1821 = arith.select %eq3A_1818, %select_n3A_1600, %broadcast_in_dim3A_1820 : vector<1x512xi1>, vector<1x512xf32>
      %ne3A = arith.cmpf one, %select_n3A_1821, %while3A_1809 : vector<1x512xf32>
      %reduce_or3A = arith.constant 1.000000e+00 : f32
      %reduce_or3A_1822 = arith.constant 0.000000e+00 : f32
      %reduce_or3A_1823 = vector.broadcast %reduce_or3A : f32 to vector<1x512xf32>
      %reduce_or3A_1824 = vector.broadcast %reduce_or3A_1822 : f32 to vector<1x512xf32>
      %reduce_or3A_1825 = arith.select %ne3A, %reduce_or3A_1823, %reduce_or3A_1824 : vector<1x512xi1>, vector<1x512xf32>
      %reduce_or3A_1826 = vector.shape_cast %reduce_or3A_1825 : vector<1x512xf32> to vector<1x1x512xf32>
      %reduce_or3A_1827 = arith.constant dense<0xFF800000> : vector<1xf32>
      %reduce_or3A_1828 = vector.multi_reduction <maximumf>, %reduce_or3A_1826, %reduce_or3A_1827 [1, 2] : vector<1x1x512xf32> to vector<1xf32>
      %reduce_or3A_1829 = vector.shape_cast %reduce_or3A_1828 : vector<1xf32> to vector<1x1x1xf32>
      %reduce_or3A_1830 = vector.extract %reduce_or3A_1829[0, 0, 0] : f32 from vector<1x1x1xf32>
      %reduce_or3A_1831 = arith.constant 0.000000e+00 : f32
      %reduce_or3A_1832 = arith.cmpf ogt, %reduce_or3A_1830, %reduce_or3A_1831 : f32
      scf.yield %select_n3A_1821, %reduce_or3A_1832 : vector<1x512xf32>, i1
    }
    %le3A = arith.cmpi sle, %iota3A, %iota3A_0 : vector<512x512xi32>
    %convert_element_type3A_1671 = arith.extui %le3A : vector<512x512xi1> to vector<512x512xi32>
    %convert_element_type3A_1672 = arith.sitofp %convert_element_type3A_1671 : vector<512x512xi32> to vector<512x512xf32>
    %broadcast_in_dim3A_1673 = arith.constant 0.000000e+00 : f32
    %broadcast_in_dim3A_1674 = vector.broadcast %broadcast_in_dim3A_1673 : f32 to vector<1x1xf32>
    %dot_general3A_1675 = arith.constant dense<0.000000e+00> : vector<1x512xf32>
    %dot_general3A_1676 = tpu.matmul %while3A_137#0, %convert_element_type3A_1672, %dot_general3A_1675 {dimension_numbers = #tpu.dot_dimension_numbers<[1], [0], [0], [1], [0, 0, 1, 1], [], []>, transpose_lhs_hint = false} : vector<1x512xf32>, vector<512x512xf32>, vector<1x512xf32> -> vector<1x512xf32>
    %add3A_1677 = vector.broadcast %broadcast_in_dim3A_1674 : vector<1x1xf32> to vector<1x512xf32>
    %add3A_1678 = arith.addf %dot_general3A_1676, %add3A_1677 : vector<1x512xf32>
    %reduce_sum3A = vector.shape_cast %while3A_137#0 : vector<1x512xf32> to vector<1x1x512xf32>
    %reduce_sum3A_1679 = arith.constant dense<0.000000e+00> : vector<1xf32>
    %reduce_sum3A_1680 = vector.multi_reduction <add>, %reduce_sum3A, %reduce_sum3A_1679 [1, 2] : vector<1x1x512xf32> to vector<1xf32>
    %reduce_sum3A_1681 = vector.shape_cast %reduce_sum3A_1680 : vector<1xf32> to vector<1x1x1xf32>
    %reduce_sum3A_1682 = vector.extract %reduce_sum3A_1681[0, 0, 0] : f32 from vector<1x1x1xf32>
    %broadcast_in_dim3A_1683 = vector.broadcast %reduce_sum3A_1682 : f32 to vector<1x1xf32>
    %add3A_1684 = arith.addf %broadcast_in_dim3A_1674, %broadcast_in_dim3A_1683 : vector<1x1xf32>
    %dot_general3A_1685 = arith.constant dense<0.000000e+00> : vector<1x512xf32>
    %dot_general3A_1686 = tpu.matmul %while3A_331#0, %convert_element_type3A_1672, %dot_general3A_1685 {dimension_numbers = #tpu.dot_dimension_numbers<[1], [0], [0], [1], [0, 0, 1, 1], [], []>, transpose_lhs_hint = false} : vector<1x512xf32>, vector<512x512xf32>, vector<1x512xf32> -> vector<1x512xf32>
    %add3A_1687 = vector.broadcast %add3A_1684 : vector<1x1xf32> to vector<1x512xf32>
    %add3A_1688 = arith.addf %dot_general3A_1686, %add3A_1687 : vector<1x512xf32>
    %reduce_sum3A_1689 = vector.shape_cast %while3A_331#0 : vector<1x512xf32> to vector<1x1x512xf32>
    %reduce_sum3A_1690 = arith.constant dense<0.000000e+00> : vector<1xf32>
    %reduce_sum3A_1691 = vector.multi_reduction <add>, %reduce_sum3A_1689, %reduce_sum3A_1690 [1, 2] : vector<1x1x512xf32> to vector<1xf32>
    %reduce_sum3A_1692 = vector.shape_cast %reduce_sum3A_1691 : vector<1xf32> to vector<1x1x1xf32>
    %reduce_sum3A_1693 = vector.extract %reduce_sum3A_1692[0, 0, 0] : f32 from vector<1x1x1xf32>
    %broadcast_in_dim3A_1694 = vector.broadcast %reduce_sum3A_1693 : f32 to vector<1x1xf32>
    %add3A_1695 = arith.addf %add3A_1684, %broadcast_in_dim3A_1694 : vector<1x1xf32>
    %dot_general3A_1696 = arith.constant dense<0.000000e+00> : vector<1x512xf32>
    %dot_general3A_1697 = tpu.matmul %while3A_523#0, %convert_element_type3A_1672, %dot_general3A_1696 {dimension_numbers = #tpu.dot_dimension_numbers<[1], [0], [0], [1], [0, 0, 1, 1], [], []>, transpose_lhs_hint = false} : vector<1x512xf32>, vector<512x512xf32>, vector<1x512xf32> -> vector<1x512xf32>
    %add3A_1698 = vector.broadcast %add3A_1695 : vector<1x1xf32> to vector<1x512xf32>
    %add3A_1699 = arith.addf %dot_general3A_1697, %add3A_1698 : vector<1x512xf32>
    %reduce_sum3A_1700 = vector.shape_cast %while3A_523#0 : vector<1x512xf32> to vector<1x1x512xf32>
    %reduce_sum3A_1701 = arith.constant dense<0.000000e+00> : vector<1xf32>
    %reduce_sum3A_1702 = vector.multi_reduction <add>, %reduce_sum3A_1700, %reduce_sum3A_1701 [1, 2] : vector<1x1x512xf32> to vector<1xf32>
    %reduce_sum3A_1703 = vector.shape_cast %reduce_sum3A_1702 : vector<1xf32> to vector<1x1x1xf32>
    %reduce_sum3A_1704 = vector.extract %reduce_sum3A_1703[0, 0, 0] : f32 from vector<1x1x1xf32>
    %broadcast_in_dim3A_1705 = vector.broadcast %reduce_sum3A_1704 : f32 to vector<1x1xf32>
    %add3A_1706 = arith.addf %add3A_1695, %broadcast_in_dim3A_1705 : vector<1x1xf32>
    %dot_general3A_1707 = arith.constant dense<0.000000e+00> : vector<1x512xf32>
    %dot_general3A_1708 = tpu.matmul %while3A_708#0, %convert_element_type3A_1672, %dot_general3A_1707 {dimension_numbers = #tpu.dot_dimension_numbers<[1], [0], [0], [1], [0, 0, 1, 1], [], []>, transpose_lhs_hint = false} : vector<1x512xf32>, vector<512x512xf32>, vector<1x512xf32> -> vector<1x512xf32>
    %add3A_1709 = vector.broadcast %add3A_1706 : vector<1x1xf32> to vector<1x512xf32>
    %add3A_1710 = arith.addf %dot_general3A_1708, %add3A_1709 : vector<1x512xf32>
    %reduce_sum3A_1711 = vector.shape_cast %while3A_708#0 : vector<1x512xf32> to vector<1x1x512xf32>
    %reduce_sum3A_1712 = arith.constant dense<0.000000e+00> : vector<1xf32>
    %reduce_sum3A_1713 = vector.multi_reduction <add>, %reduce_sum3A_1711, %reduce_sum3A_1712 [1, 2] : vector<1x1x512xf32> to vector<1xf32>
    %reduce_sum3A_1714 = vector.shape_cast %reduce_sum3A_1713 : vector<1xf32> to vector<1x1x1xf32>
    %reduce_sum3A_1715 = vector.extract %reduce_sum3A_1714[0, 0, 0] : f32 from vector<1x1x1xf32>
    %broadcast_in_dim3A_1716 = vector.broadcast %reduce_sum3A_1715 : f32 to vector<1x1xf32>
    %add3A_1717 = arith.addf %add3A_1706, %broadcast_in_dim3A_1716 : vector<1x1xf32>
    %dot_general3A_1718 = arith.constant dense<0.000000e+00> : vector<1x512xf32>
    %dot_general3A_1719 = tpu.matmul %while3A_886#0, %convert_element_type3A_1672, %dot_general3A_1718 {dimension_numbers = #tpu.dot_dimension_numbers<[1], [0], [0], [1], [0, 0, 1, 1], [], []>, transpose_lhs_hint = false} : vector<1x512xf32>, vector<512x512xf32>, vector<1x512xf32> -> vector<1x512xf32>
    %add3A_1720 = vector.broadcast %add3A_1717 : vector<1x1xf32> to vector<1x512xf32>
    %add3A_1721 = arith.addf %dot_general3A_1719, %add3A_1720 : vector<1x512xf32>
    %reduce_sum3A_1722 = vector.shape_cast %while3A_886#0 : vector<1x512xf32> to vector<1x1x512xf32>
    %reduce_sum3A_1723 = arith.constant dense<0.000000e+00> : vector<1xf32>
    %reduce_sum3A_1724 = vector.multi_reduction <add>, %reduce_sum3A_1722, %reduce_sum3A_1723 [1, 2] : vector<1x1x512xf32> to vector<1xf32>
    %reduce_sum3A_1725 = vector.shape_cast %reduce_sum3A_1724 : vector<1xf32> to vector<1x1x1xf32>
    %reduce_sum3A_1726 = vector.extract %reduce_sum3A_1725[0, 0, 0] : f32 from vector<1x1x1xf32>
    %broadcast_in_dim3A_1727 = vector.broadcast %reduce_sum3A_1726 : f32 to vector<1x1xf32>
    %add3A_1728 = arith.addf %add3A_1717, %broadcast_in_dim3A_1727 : vector<1x1xf32>
    %dot_general3A_1729 = arith.constant dense<0.000000e+00> : vector<1x512xf32>
    %dot_general3A_1730 = tpu.matmul %while3A_1057#0, %convert_element_type3A_1672, %dot_general3A_1729 {dimension_numbers = #tpu.dot_dimension_numbers<[1], [0], [0], [1], [0, 0, 1, 1], [], []>, transpose_lhs_hint = false} : vector<1x512xf32>, vector<512x512xf32>, vector<1x512xf32> -> vector<1x512xf32>
    %add3A_1731 = vector.broadcast %add3A_1728 : vector<1x1xf32> to vector<1x512xf32>
    %add3A_1732 = arith.addf %dot_general3A_1730, %add3A_1731 : vector<1x512xf32>
    %reduce_sum3A_1733 = vector.shape_cast %while3A_1057#0 : vector<1x512xf32> to vector<1x1x512xf32>
    %reduce_sum3A_1734 = arith.constant dense<0.000000e+00> : vector<1xf32>
    %reduce_sum3A_1735 = vector.multi_reduction <add>, %reduce_sum3A_1733, %reduce_sum3A_1734 [1, 2] : vector<1x1x512xf32> to vector<1xf32>
    %reduce_sum3A_1736 = vector.shape_cast %reduce_sum3A_1735 : vector<1xf32> to vector<1x1x1xf32>
    %reduce_sum3A_1737 = vector.extract %reduce_sum3A_1736[0, 0, 0] : f32 from vector<1x1x1xf32>
    %broadcast_in_dim3A_1738 = vector.broadcast %reduce_sum3A_1737 : f32 to vector<1x1xf32>
    %add3A_1739 = arith.addf %add3A_1728, %broadcast_in_dim3A_1738 : vector<1x1xf32>
    %dot_general3A_1740 = arith.constant dense<0.000000e+00> : vector<1x512xf32>
    %dot_general3A_1741 = tpu.matmul %while3A_1221#0, %convert_element_type3A_1672, %dot_general3A_1740 {dimension_numbers = #tpu.dot_dimension_numbers<[1], [0], [0], [1], [0, 0, 1, 1], [], []>, transpose_lhs_hint = false} : vector<1x512xf32>, vector<512x512xf32>, vector<1x512xf32> -> vector<1x512xf32>
    %add3A_1742 = vector.broadcast %add3A_1739 : vector<1x1xf32> to vector<1x512xf32>
    %add3A_1743 = arith.addf %dot_general3A_1741, %add3A_1742 : vector<1x512xf32>
    %reduce_sum3A_1744 = vector.shape_cast %while3A_1221#0 : vector<1x512xf32> to vector<1x1x512xf32>
    %reduce_sum3A_1745 = arith.constant dense<0.000000e+00> : vector<1xf32>
    %reduce_sum3A_1746 = vector.multi_reduction <add>, %reduce_sum3A_1744, %reduce_sum3A_1745 [1, 2] : vector<1x1x512xf32> to vector<1xf32>
    %reduce_sum3A_1747 = vector.shape_cast %reduce_sum3A_1746 : vector<1xf32> to vector<1x1x1xf32>
    %reduce_sum3A_1748 = vector.extract %reduce_sum3A_1747[0, 0, 0] : f32 from vector<1x1x1xf32>
    %broadcast_in_dim3A_1749 = vector.broadcast %reduce_sum3A_1748 : f32 to vector<1x1xf32>
    %add3A_1750 = arith.addf %add3A_1739, %broadcast_in_dim3A_1749 : vector<1x1xf32>
    %dot_general3A_1751 = arith.constant dense<0.000000e+00> : vector<1x512xf32>
    %dot_general3A_1752 = tpu.matmul %while3A_1378#0, %convert_element_type3A_1672, %dot_general3A_1751 {dimension_numbers = #tpu.dot_dimension_numbers<[1], [0], [0], [1], [0, 0, 1, 1], [], []>, transpose_lhs_hint = false} : vector<1x512xf32>, vector<512x512xf32>, vector<1x512xf32> -> vector<1x512xf32>
    %add3A_1753 = vector.broadcast %add3A_1750 : vector<1x1xf32> to vector<1x512xf32>
    %add3A_1754 = arith.addf %dot_general3A_1752, %add3A_1753 : vector<1x512xf32>
    %reduce_sum3A_1755 = vector.shape_cast %while3A_1378#0 : vector<1x512xf32> to vector<1x1x512xf32>
    %reduce_sum3A_1756 = arith.constant dense<0.000000e+00> : vector<1xf32>
    %reduce_sum3A_1757 = vector.multi_reduction <add>, %reduce_sum3A_1755, %reduce_sum3A_1756 [1, 2] : vector<1x1x512xf32> to vector<1xf32>
    %reduce_sum3A_1758 = vector.shape_cast %reduce_sum3A_1757 : vector<1xf32> to vector<1x1x1xf32>
    %reduce_sum3A_1759 = vector.extract %reduce_sum3A_1758[0, 0, 0] : f32 from vector<1x1x1xf32>
    %broadcast_in_dim3A_1760 = vector.broadcast %reduce_sum3A_1759 : f32 to vector<1x1xf32>
    %add3A_1761 = arith.addf %add3A_1750, %broadcast_in_dim3A_1760 : vector<1x1xf32>
    %dot_general3A_1762 = arith.constant dense<0.000000e+00> : vector<1x512xf32>
    %dot_general3A_1763 = tpu.matmul %while3A_1528#0, %convert_element_type3A_1672, %dot_general3A_1762 {dimension_numbers = #tpu.dot_dimension_numbers<[1], [0], [0], [1], [0, 0, 1, 1], [], []>, transpose_lhs_hint = false} : vector<1x512xf32>, vector<512x512xf32>, vector<1x512xf32> -> vector<1x512xf32>
    %add3A_1764 = vector.broadcast %add3A_1761 : vector<1x1xf32> to vector<1x512xf32>
    %add3A_1765 = arith.addf %dot_general3A_1763, %add3A_1764 : vector<1x512xf32>
    %reduce_sum3A_1766 = vector.shape_cast %while3A_1528#0 : vector<1x512xf32> to vector<1x1x512xf32>
    %reduce_sum3A_1767 = arith.constant dense<0.000000e+00> : vector<1xf32>
    %reduce_sum3A_1768 = vector.multi_reduction <add>, %reduce_sum3A_1766, %reduce_sum3A_1767 [1, 2] : vector<1x1x512xf32> to vector<1xf32>
    %reduce_sum3A_1769 = vector.shape_cast %reduce_sum3A_1768 : vector<1xf32> to vector<1x1x1xf32>
    %reduce_sum3A_1770 = vector.extract %reduce_sum3A_1769[0, 0, 0] : f32 from vector<1x1x1xf32>
    %broadcast_in_dim3A_1771 = vector.broadcast %reduce_sum3A_1770 : f32 to vector<1x1xf32>
    %add3A_1772 = arith.addf %add3A_1761, %broadcast_in_dim3A_1771 : vector<1x1xf32>
    %dot_general3A_1773 = arith.constant dense<0.000000e+00> : vector<1x512xf32>
    %dot_general3A_1774 = tpu.matmul %while3A_1670#0, %convert_element_type3A_1672, %dot_general3A_1773 {dimension_numbers = #tpu.dot_dimension_numbers<[1], [0], [0], [1], [0, 0, 1, 1], [], []>, transpose_lhs_hint = false} : vector<1x512xf32>, vector<512x512xf32>, vector<1x512xf32> -> vector<1x512xf32>
    %add3A_1775 = vector.broadcast %add3A_1772 : vector<1x1xf32> to vector<1x512xf32>
    %add3A_1776 = arith.addf %dot_general3A_1774, %add3A_1775 : vector<1x512xf32>
    %concatenate3A = tpu.concatenate %add3A_1678, %add3A_1688, %add3A_1699, %add3A_1710, %add3A_1721, %add3A_1732, %add3A_1743, %add3A_1754, %add3A_1765, %add3A_1776 in 1 : vector<1x512xf32>, vector<1x512xf32>, vector<1x512xf32>, vector<1x512xf32>, vector<1x512xf32>, vector<1x512xf32>, vector<1x512xf32>, vector<1x512xf32>, vector<1x512xf32>, vector<1x512xf32> -> vector<1x5120xf32>
    %concatenate3A_1777 = tpu.concatenate %while3A_137#0, %while3A_331#0, %while3A_523#0, %while3A_708#0, %while3A_886#0, %while3A_1057#0, %while3A_1221#0, %while3A_1378#0, %while3A_1528#0, %while3A_1670#0 in 1 : vector<1x512xf32>, vector<1x512xf32>, vector<1x512xf32>, vector<1x512xf32>, vector<1x512xf32>, vector<1x512xf32>, vector<1x512xf32>, vector<1x512xf32>, vector<1x512xf32>, vector<1x512xf32> -> vector<1x5120xf32>
    %iota3A_1778 = tpu.iota {dimensions = array<i32: 0>} : vector<512x1xi32>
    %add3A_1779 = arith.constant 1 : i32
    %add3A_1780 = vector.broadcast %add3A_1779 : i32 to vector<512x1xi32>
    %add3A_1781 = arith.addi %iota3A_1778, %add3A_1780 : vector<512x1xi32>
    %convert_element_type3A_1782 = arith.sitofp %add3A_1781 : vector<512x1xi32> to vector<512x1xf32>
    %eq3A_1783 = vector.broadcast %concatenate3A : vector<1x5120xf32> to vector<512x5120xf32>
    %eq3A_1784 = vector.broadcast %convert_element_type3A_1782 : vector<512x1xf32> to vector<512x5120xf32>
    %eq3A_1785 = arith.cmpf oeq, %eq3A_1783, %eq3A_1784 : vector<512x5120xf32>
    %gt3A_1786 = arith.constant 5.000000e-01 : f32
    %gt3A_1787 = vector.broadcast %gt3A_1786 : f32 to vector<1x5120xf32>
    %gt3A_1788 = arith.cmpf ogt, %concatenate3A_1777, %gt3A_1787 : vector<1x5120xf32>
    %and3A_1789 = vector.broadcast %gt3A_1788 : vector<1x5120xi1> to vector<512x5120xi1>
    %and3A_1790 = arith.andi %eq3A_1785, %and3A_1789 : vector<512x5120xi1>
    %convert_element_type3A_1791 = arith.extui %and3A_1790 : vector<512x5120xi1> to vector<512x5120xi32>
    %convert_element_type3A_1792 = arith.sitofp %convert_element_type3A_1791 : vector<512x5120xi32> to vector<512x5120xf32>
    %get3A_1793 = arith.constant 0 : index
    %get3A_1794 = arith.constant 0 : index
    %get3A_1795 = vector.load %arg3[%get3A_1793, %get3A_1794] : memref<5120x1xf32, #tpu.memory_space<vmem>>, vector<5120x1xf32>
    %dot_general3A_1796 = arith.constant dense<0.000000e+00> : vector<512x1xf32>
    %dot_general3A_1797 = tpu.matmul %convert_element_type3A_1792, %get3A_1795, %dot_general3A_1796 {dimension_numbers = #tpu.dot_dimension_numbers<[1], [0], [0], [1], [0, 0, 1, 1], [], []>, precision = #tpu.contract_precision<fp32>, transpose_lhs_hint = false} : vector<512x5120xf32>, vector<5120x1xf32>, vector<512x1xf32> -> vector<512x1xf32>
    %swap3A_1798 = arith.constant 0 : index
    %swap3A_1799 = arith.constant 0 : index
    %swap3A_1800 = vector.load %arg4[%swap3A_1798, %swap3A_1799] : memref<512x1xf32, #tpu.memory_space<vmem>>, vector<512x1xf32>
    tpu.vector_store %arg4[%swap3A_1798, %swap3A_1799], %dot_general3A_1797 {strides = array<i32>} : memref<512x1xf32, #tpu.memory_space<vmem>>, vector<512x1xf32>,
    %get3A_1801 = arith.constant 0 : index
    %get3A_1802 = arith.constant 0 : index
    %get3A_1803 = vector.load %arg0[%get3A_1801, %get3A_1802] : memref<5120x4xf32, #tpu.memory_space<vmem>>, vector<5120x4xf32>
    %dot_general3A_1804 = arith.constant dense<0.000000e+00> : vector<512x4xf32>
    %dot_general3A_1805 = tpu.matmul %convert_element_type3A_1792, %get3A_1803, %dot_general3A_1804 {dimension_numbers = #tpu.dot_dimension_numbers<[1], [0], [0], [1], [0, 0, 1, 1], [], []>, precision = #tpu.contract_precision<fp32>, transpose_lhs_hint = false} : vector<512x5120xf32>, vector<5120x4xf32>, vector<512x4xf32> -> vector<512x4xf32>
    %swap3A_1806 = arith.constant 0 : index
    %swap3A_1807 = arith.constant 0 : index
    %swap3A_1808 = vector.load %arg5[%swap3A_1806, %swap3A_1807] : memref<512x4xf32, #tpu.memory_space<vmem>>, vector<512x4xf32>
    tpu.vector_store %arg5[%swap3A_1806, %swap3A_1807], %dot_general3A_1805 {strides = array<i32>} : memref<512x4xf32, #tpu.memory_space<vmem>>, vector<512x4xf32>,
    return
  }
}

</mosaic_0001>

<sc_bundles>
// kernel: gather_offload_async_start
scs
__scs_entry_jumppad:
0x0: {  	(pc) =	sbr.rel $0x88, $3  }
0x1: {  	(tag) =	ssettag $0x0;
	lr =	simm.s32 $0x1  }
0x2: {  	[smem:$0x3F9F] =	sst lr;
	_ =	strace $0xD0000000  }
0x3: {  	_ = 	snop  }
0x4: {  	_ = 	snop  }
0x5: {  	_ = 	snop  }
0x6: {  	_ = 	snop  }
0x7: {  	_ = 	snop  }
__scs_overlays_trampoline_lowered:
0x8: {  	[smem:$0x3FAE] =	sst s0  }
0x9: {  	[smem:$0x3FAF] =	sst s1  }
0xa: {  	[smem:$0x3FB0] =	sst s2  }
0xb: {  	[smem:$0x3FB1] =	sst s3  }
0xc: {  	[smem:$0x3FB2] =	sst s4  }
0xd: {  	[smem:$0x3FB3] =	sst s5  }
0xe: {  	[smem:$0x3FB4] =	sst s6  }
0xf: {  	[smem:$0x3FB5] =	sst s7  }
0x10: {  	[smem:$0x3FB6] =	sst s8  }
0x11: {  	[smem:$0x3FB7] =	sst s9;
	s0 =	simm.s32 @!p0 $0x0  }
0x12: {  	s1 =	sld [smem:$0x3F9D];
	s0 =	simm.s32 @p0 $0x1  }
0x13: {  	[smem:$0x3FB8] =	sst s0;
	s0 =	simm.s32 @!p1 $0x0  }
0x14: {  	s2 =	sld [smem:$0x3F9C];
	s0 =	simm.s32 @p1 $0x1  }
0x15: {  	[smem:$0x3FB9] =	sst s0;
	s0 =	simm.s32 @!p2 $0x0  }
0x16: {  	s3 =	sld [smem:$0x3FDB];
	s0 =	simm.s32 @p2 $0x1  }
0x17: {  	s4 =	simm.s32 $0x1BF5;
	[smem:$0x3FBB] =	sst s0  }
0x18: {  	s0 =	sld [smem:$0x3F9E];
	_ =	swait.ge [sflag:s4], $0x0  }
0x19: {  	s7 =	sld [smem:$0x3F9F]  }
0x1a: {  	s8 =	sadd.s32 $0xFFFFE003, lr  }
0x1b: {  	s9 =	sadd.s32 $0xFFFFFEF7, lr;
	s5 =	simm.s32 $0xFFFFFFFF;
	p2 =	slt.u32 s8, $0xFFFFF086  }
0x1c: {  	p1 =	slt.u32 s9, $0xF7A;
	s5 =	simm.s32 @!p2 $0x0  }
0x1d: {  	s5 =	simm.s32 @p1 $0x1;
	p0 =	seq.s32 s7, s2  }
0x1e: {  	s7 =	smul.u32 @!p0 $0xF7A, s2;
	p2 =	seq.s32 @!p0 s5, $0x0  }
0x1f: {  	s9 =	smul.u32 $0xF7A, s1;
	s8 =	simm.s32 @!p0 $0x1BF5;
	p2 =	por !p2, p0  }
0x20: {  	[sflag:s8] =	ssyncset.s32 @!p0 $0xFFFFF086;
	s6 =	sadd.s32 @!p0 s3, s7;
	s7 =	simm.s32 @!p0 $0x108  }
0x21: {  	s3 =	sadd.s32 s3, s9;
	s6 =	sadd.s32 @!p0 $0x88, s6;
	s7 =	simm.s32 @p2 $0x1082  }
0x22: {  	[simem:s7], [sflag:s8] =	dma.local @!p0 [hbm:s6], $0xF7A  }
0x23: {  	s9 =	sor.u32 $0xD0000000, s2;
	s6 =	simm.s32 $0x108;
	_ =	swait.ge @!p0 [sflag:s8], $0x0  }
0x24: {  	s3 =	sadd.s32 $0x88, s3;
	s6 =	simm.s32 @!p1 $0x1082;
	[sflag:s4] =	ssyncset.s32 $0xFFFFF086  }
0x25: {  	[simem:s6], [sflag:s4] =	dma.local [hbm:s3], $0xF7A  }
0x26: {  	[smem:$0x3F9F] =	sst s1;
	(tag) =	ssettag s2;
	_ =	strace s9  }
0x27: {  	s1 =	sld [smem:$0x3FAF]  }
0x28: {  	s2 =	sld [smem:$0x3FB0]  }
0x29: {  	s4 =	sld [smem:$0x3FB2]  }
0x2a: {  	p0 =	seq.s32 s5, $0x0;
	s5 =	sld [smem:$0x3FB3]  }
0x2b: {  	s6 =	sld [smem:$0x3FB4]  }
0x2c: {  	s7 =	sld [smem:$0x3FB5]  }
0x2d: {  	s3 =	simm.s32 $0x108;
	s8 =	sld [smem:$0x3FB6]  }
0x2e: {  	s3 =	simm.s32 @!p0 $0x1082;
	s9 =	sld [smem:$0x3FB7]  }
0x2f: {  	lr =	sadd.s32 s0, s3;
	s0 =	sld [smem:$0x3FAE]  }
0x30: {  	s3 =	sld [smem:$0x3FB1]  }
0x31: {  	[smem:$0x3FBA] =	sst s10  }
0x32: {  	s10 =	sld [smem:$0x3FB8];
	_ =	sdelay $0x3  }
0x33: {  	p0 =	seq.s32 s10, $0x1;
	s10 =	sld [smem:$0x3FBA];
	_ =	sdelay $0x3  }
0x34: {  	[smem:$0x3FBA] =	sst s10  }
0x35: {  	s10 =	sld [smem:$0x3FB9];
	_ =	sdelay $0x3  }
0x36: {  	p1 =	seq.s32 s10, $0x1;
	s10 =	sld [smem:$0x3FBA];
	_ =	sdelay $0x3  }
0x37: {  	[smem:$0x3FBA] =	sst s10  }
0x38: {  	s10 =	sld [smem:$0x3FBB]  }
0x39: {  	_ = 	snop;
	(pc) =	sbr.ind lr, $3  }
0x3a: {  	_ = 	snop  }
0x3b: {  	_ = 	snop  }
0x3c: {  	p2 =	seq.s32 s10, $0x1;
	s10 =	sld [smem:$0x3FBA]  }
0x3d: {  	_ =	shalt  }
0x3e: {  	_ =	shalt  }
0x3f: {  	_ =	shalt  }
0x40: {  	_ =	shalt  }
0x41: {  	_ =	shalt  }
0x42: {  	_ =	shalt  }
0x43: {  	_ =	shalt  }
0x44: {  	_ =	shalt  }
0x45: {  	_ =	shalt  }
0x46: {  	_ =	shalt  }
0x47: {  	_ =	shalt  }
0x48: {  	_ =	shalt  }
0x49: {  	_ =	shalt  }
0x4a: {  	_ =	shalt  }
0x4b: {  	_ =	shalt  }
0x4c: {  	_ =	shalt  }
0x4d: {  	_ =	shalt  }
0x4e: {  	_ =	shalt  }
0x4f: {  	_ =	shalt  }
0x50: {  	_ =	shalt  }
0x51: {  	_ =	shalt  }
0x52: {  	_ =	shalt  }
0x53: {  	_ =	shalt  }
0x54: {  	_ =	shalt  }
0x55: {  	_ =	shalt  }
0x56: {  	_ =	shalt  }
0x57: {  	_ =	shalt  }
0x58: {  	_ =	shalt  }
0x59: {  	_ =	shalt  }
0x5a: {  	_ =	shalt  }
0x5b: {  	_ =	shalt  }
0x5c: {  	_ =	shalt  }
0x5d: {  	_ =	shalt  }
0x5e: {  	_ =	shalt  }
0x5f: {  	_ =	shalt  }
0x60: {  	_ =	shalt  }
0x61: {  	_ =	shalt  }
0x62: {  	_ =	shalt  }
0x63: {  	_ =	shalt  }
0x64: {  	_ =	shalt  }
0x65: {  	_ =	shalt  }
0x66: {  	_ =	shalt  }
0x67: {  	_ =	shalt  }
0x68: {  	_ =	shalt  }
0x69: {  	_ =	shalt  }
0x6a: {  	_ =	shalt  }
0x6b: {  	_ =	shalt  }
0x6c: {  	_ =	shalt  }
0x6d: {  	_ =	shalt  }
0x6e: {  	_ =	shalt  }
0x6f: {  	_ =	shalt  }
0x70: {  	_ =	shalt  }
0x71: {  	_ =	shalt  }
0x72: {  	_ =	shalt  }
0x73: {  	_ =	shalt  }
0x74: {  	_ =	shalt  }
0x75: {  	_ =	shalt  }
0x76: {  	_ =	shalt  }
0x77: {  	_ =	shalt  }
0x78: {  	_ =	shalt  }
0x79: {  	_ =	shalt  }
0x7a: {  	_ =	shalt  }
0x7b: {  	_ =	shalt  }
0x7c: {  	_ =	shalt  }
0x7d: {  	_ =	shalt  }
0x7e: {  	_ =	shalt  }
0x7f: {  	_ =	shalt  }
0x80: {  	_ =	shalt  }
0x81: {  	_ =	shalt  }
0x82: {  	_ =	shalt  }
0x83: {  	_ =	shalt  }
0x84: {  	_ =	shalt  }
0x85: {  	_ =	shalt  }
0x86: {  	_ =	shalt  }
0x87: {  	_ =	shalt  }
.Lfunc_end0:
.L_simem_size_0:
called_computation_lowered:
.L_overlay_start_0:
0x88: {  	s0 =	sld [smem:$0x3FD9]  }
0x89: {  	s1 =	sld [smem:$0x3FFE];
	_ =	sdelay $0x3  }
0x8a: {  	s0 =	sadd.s32 s1, s0  }
0x8b: {  	[smem:$0x3FC6] =	sst s0  }
0x8c: {  	_ = 	snop  }
0x8d: {  	(tm) =	ssettm $0x1  }
0x8e: {  	s15 =	sld [smem:$0x3FFB];
	_ =	sdelay $0x3  }
0x8f: {  	_ =	strace s15  }
0x90: {  	s0 =	sld [smem:$0x3FFC];
	_ =	sdelay $0x3  }
0x91: {  	_ =	strace s0  }
0x92: {  	s0 =	sld [smem:$0x3FFD];
	_ =	sdelay $0x3  }
0x93: {  	_ =	strace s0  }
0x94: {  	_ =	strace $0x8FFFFFFF  }
0x95: {  	s16 =	sld [smem:$0x3FDB];
	_ =	sdelay $0x1  }
0x96: {  	s17 =	simm.s32 $_scs_section_size  }
0x97: {  	s2 =	simm.s32 $_size__tile_overlayer_lowered;
	s3 =	simm.s32 $_tile_overlayer_lowered  }
0x98: {  	s20 =	simm.s32 $0x1BFF;
	s19 =	sshll.u32 s3, $0x1;
	s0 =	sadd.s32 s17, s16  }
0x99: {  	s4 =	simm.s32 $0x0;
	s18 =	sshll.u32 s2, $0x1;
	s2 =	sadd.s32 s19, s0  }
0x9a: {  	[timem:s4], [sflag:s20] =	dma.local [hbm:s2], s18  }
0x9b: {  	_ =	swait.ge [sflag:s20], s18  }
0x9c: {  	s1 =	ssub.s32 $0x0, s18;
	[sflag:s20] =	ssyncset.done $0x0  }
0x9d: {  	[sflag:s20] =	ssyncadd.s32 s1;
	_ =	sdelay $0x1  }
0x9e: {  	s21 =	simm.s32 $0x1B8B  }
0x9f: {  	_ =	swait.ge [sflag:s21], $0x1  }
0xa0: {  	[sflag:s21] =	ssyncset.done $0x0  }
0xa1: {  	s23 =	simm.s32 $0x1B8E;
	s22 =	sld [smem:$0x3FFE];
	[sflag:s21] =	ssyncadd.s32 $0xFFFFFFFF  }
0xa2: {  	s24 =	simm.s32 $execute0_lowered;
	[smem:$0x3FD2] =	sst s23  }
0xa3: {  	s2 =	sshll.u32 s24, $0x1;
	_ =	strace $0x80000046;
	[dreg:$0x1] =	wrdreg $0xFFFFFFFF  }
0xa4: {  	s25 =	simm.s32 $_size_execute0_lowered;
	s0 =	sadd.s32 s0, s2;
	[dreg:$0x0] =	wrdreg $0x0  }
0xa5: {  	s2 =	sshll.u32 s25, $0x1;
	[dreg:$0x2] =	wrdreg s0  }
0xa6: {  	[dreg:$0x3] =	wrdreg s2  }
0xa7: {  	[dreg:$0x4] =	wrdreg $0xC0  }
0xa8: {  	_ =	task [dreg:s4], $0x5FFFF  }
0xa9: {  	[dreg:$0x1] =	wrdreg $0xFFFFFFFF  }
0xaa: {  	[dreg:$0x0] =	wrdreg $0x60  }
0xab: {  	[dreg:$0x2] =	wrdreg s22  }
0xac: {  	[dreg:$0x3] =	wrdreg $0x9  }
0xad: {  	_ =	task.clear_ibuf [dreg:s4], $0x4FFFF;
	_ =	strace $0x90000046  }
0xae: {  	s26 =	simm.s32 $0x9;
	_ =	strace $0x80000048  }
0xaf: {  	_ =	swait.ge [sflag:s26], $0x1  }
0xb0: {  	[sflag:s26] =	ssyncadd.s32 $0xFFFFFFFF  }
0xb1: {  	_ =	strace $0x90000048  }
0xb2: {  	_ =	sfence  }
0xb3: {  	s28 =	sld [smem:$0x0];
	_ =	sdelay $0x1  }
0xb4: {  	s29 =	srdreg.scid  }
0xb5: {  	s30 =	sshll.u32 s29, $0xD;
	s31 =	sshrl.u32 s29, $0x2  }
0xb6: {  	s1 =	sand.u32 $0x1, s29;
	s2 =	sand.u32 $0x4000, s30;
	s0 =	sadd.s32 s31, s28  }
0xb7: {  	s1 =	sor.u32 s2, s1;
	s0 =	sshll.u32 s0, $0x11  }
0xb8: {  	s0 =	sor.u32 s0, s1  }
0xb9: {  	s0 =	sadd.s32 $0x8F2B, s0  }
0xba: {  	[sflag:s0] =	ssyncadd.remote.s32 $0x1  }
0xbb: {  	_ =	sfence.sel $0xFFFF  }
0xbc: {  	[dreg:$0x0] =	wrdreg $0xFFFFFFFF;
	(pc) =	sbr.abs _section_cstart, $3  }
0xbd: {  	[dreg:$0x1] =	wrdreg $0xFFFFFFFF  }
0xbe: {  	_ =	task.clear_ibuf [dreg:s4], $0x2FFFF;
	_ =	strace $0x9FFFFFFF  }
0xbf: {  	(tm) =	ssettm $0x7FFFFFFF  }
tec
execute0_lowered:
.L_overlay_start_1:
0x0: {  	(tag) =	ssettag $0x1  }
0x1: {  	s0 =	stileid.u32  }
0x2: {  	s1 =	smin.u32 s0, $0x9  }
0x3: {  	s1 =	sadd.s32 s0, s1  }
0x4: {  	s2 =	simm.s32 $0x190;
	p0 =	slt.u32 s0, $0x9;
	s1 =	smul.u32 $0xC8, s1  }
0x5: {  	s2 =	simm.s32 @!p0 $0xC8  }
0x6: {  	s2 =	sadd.s32 s2, s1  }
0x7: {  	s3 =	smin.u32 s2, $0x1388  }
0x8: {  	s7 =	ssub.s32 s3, s1  }
0x9: {  	p0 =	sgt.s32 s7, $0x0  }
0xa: {  	s7 =	simm.s32 @!p0 $0x0  }
0xb: {  	s31 =	sand.u32 $0xFFF8, s7  }
0xc: {  	s2 =	sshrl.u32 s31, $0x3  }
0xd: {  	s2 =	smul.u32 $0x147B, s2  }
0xe: {  	s4 =	rddreg [dreg:$0x0];
	s6 =	simm.s32 $0x1  }
0xf: {  	s10 =	simm.s32 $0x3;
	s13 =	simm.s32 $0x0;
	s8 =	sshrl.u32 s2, $0x11  }
0x10: {  	s12 =	simm.s32 $0x0;
	s5 =	sadd.s32 $0x400, s4;
	s9 =	smul.u32 $0xC8, s8  }
.Ltmp0:
0x11: {  	s11 =	smov.u32 s1;
	s2 =	rddreg [dreg:$0x1];
	(pc) =	sbr.rel .LBB2_1-.Ltmp0, $4  }
0x12: {  	_ =	strace $0x80000047;
	p0 =	sne.s32 s7, s9;
	s9 =	simm.s32 $0x1  }
0x13: {  	[sflag:s6] =	ssyncpa.u1 $0x0;
	s7 =	simm.s32 $0x2;
	s9 =	simm.s32 @!p0 $0x0  }
0x14: {  	[sflag:s7] =	ssyncpa.u1 $0x0;
	p0 =	por $0x0, $0x0;
	s8 =	sadd.s32 s8, s9  }
0x15: {  	vm0 =	vmmov $0xff;
	vm1 =	vcmask $0x3F20;
	s9 =	sadd.s32 $0x13E00, s4;
	[sflag:s10] =	ssyncpa.u1 $0x0;
	s10 =	sadd.s32 $0x1, s8  }
.LBB2_6:
0x16: {  	[hbm:s17] =	stream.linear.scatter [tilespmem:s14], [sflag:$0x3], $0x400, $0x38;
	[tilespmem:$0xC990] =	vst v63  }
.LBB2_7:
0x17: {  	s13 =	sadd.s32 $0xC8, s11  }
0x18: {  	s15 =	smov.u32 s1;
	p2 =	slt.s32 s13, s3  }
0x19: {  	s15 =	smov.u32 @p2 s13;
	p2 =	sne.s32 s12, s10  }
.Ltmp1:
0x1a: {  	p1 =	slt.u32 s12, $0x2;
	(pc) =	sbr.rel @!p2 .LBB2_8-.Ltmp1, $4  }
0x1b: {  	s14 =	simm.s32 @!p1 $0x3  }
0x1c: {  	s16 =	sadd.s32 $0x1, s12;
	_ =	swait.ge @!p1 [sflag:s14], $0x6400  }
0x1d: {  	p0 =	por !p0, !p0;
	s13 =	smov.u32 s11;
	[sflag:s14] =	ssyncset.done @!p1 $0x0  }
0x1e: {  	s12 =	smov.u32 s16;
	s11 =	smov.u32 s15;
	[sflag:s14] =	ssyncadd.s32 @!p1 $0xFFFF9C00  }
.LBB2_1:
0x1f: {  	p1 =	sge.u32 s12, s8  }
0x20: {  	s14 =	sxor.u32 @!p1 $0xFFFFFFFF, s12  }
0x21: {  	s14 =	sand.u32 @!p1 $0x1, s14  }
0x22: {  	s14 =	smul.u32 @!p1 $0x320, s14  }
0x23: {  	s31 =	sadd.s32 $0xFFFFFFFF, s12;
	s15 =	sshrl.u32 @!p1 s11, $0x3  }
0x24: {  	s16 =	sand.u32 @!p1 $0x7, s11;
	s15 =	sadd.s32 @!p1 s4, s15;
	s14 =	sshrl.u32 @!p1 s14, $0x2  }
0x25: {  	[tilespmem:s14], [sflag:$0x2] =	stream.linear.gather @!p1 [hbm4b:s15+s16], $0xC8, $0x38;
	[tilespmem:$0xC990] =	vst v63  }
0x26: {  	p1 =	sge.u32 s31, s8  }
.Ltmp2:
0x27: {  	_ = 	snop;
	(pc) =	sbr.rel @p1 .LBB2_7-.Ltmp2, $1  }
0x28: {  	_ =	sdelay $0x3  }
0x29: {  	s14 =	simm.s32 $0x1  }
0x2a: {  	s14 =	simm.s32 @!p0 $0x0  }
0x2b: {  	s15 =	smul.u32 $0x320, s14  }
0x2c: {  	_ =	swait.ge [sflag:s7], $0xC8  }
0x2d: {  	[sflag:s7] =	ssyncset.done $0x0;
	s16 =	sshrl.u32 s15, $0x2  }
0x2e: {  	[sflag:s7] =	ssyncadd.s32 $0xFFFFFF38;
	s15 =	sadd.s32 $0x0, s16  }
0x2f: {  	v0 =	vld.msk [tilespmem:s15+$0x0 ss:$0x1], $0xffff;
	_ =	sdelay $0x4  }
0x30: {  	vm2 =	vgt.s32 v0, $0x0  }
0x31: {  	v0 =	vnsel vm2, $0x0, v0  }
0x32: {  	v0 =	vmin.u32 v0, $0x1387  }
0x33: {  	v0 =	vshll.u32 v0, $0x4  }
0x34: {  	s14 =	smul.u32 $0x19000, s14  }
0x35: {  	s31 =	sand.u32 $0x1, s12  }
0x36: {  	s17 =	smul.u32 $0x320, s31;
	s14 =	sshrl.u32 s14, $0x2  }
0x37: {  	s19 =	smul.u32 $0x19000, s31;
	s14 =	sor.u32 $0x190, s14  }
0x38: {  	[tilespmem:s14], [sflag:$0x1] =	stream.indirect_vreg.gather [hbm:s5], $0x80, v0, vm0, $0x38;
	[tilespmem:$0xC990] =	vst v63  }
0x39: {  	s18 =	sshrl.u32 s17, $0x2;
	s20 =	sadd.s32 $0x10, s16;
	s15 =	sadd.s32 $0x400, s14  }
0x3a: {  	[tilespmem:s15], [sflag:$0x1] =	stream.indirect_vreg.gather [hbm:s5], $0x80, v0, vm1, $0x38;
	[tilespmem:$0xC990] =	vst v63  }
0x3b: {  	s17 =	sshrl.u32 s19, $0x2;
	s19 =	smov.u32 s14;
	v0 =	vld.msk [tilespmem:s20+$0x0 ss:$0x1], $0xffff;
	s20 =	simm.s32 $0x80  }
.LBB2_3:
0x3c: {  	p1 =	sne.s32 s20, $0x2C0;
	_ =	sdelay $0x4  }
0x3d: {  	vm2 =	vgt.s32 v0, $0x0  }
0x3e: {  	v0 =	vnsel vm2, $0x0, v0  }
0x3f: {  	v0 =	vmin.u32 v0, $0x1387  }
0x40: {  	v0 =	vshll.u32 v0, $0x4;
	_ =	sdelay $0x3  }
.Ltmp3:
0x41: {  	s21 =	sshra.s32 s20, $0x2;
	s19 =	sadd.s32 $0x800, s19;
	(pc) =	sbr.rel @p1 .LBB2_3-.Ltmp3, $4  }
0x42: {  	[tilespmem:s19], [sflag:$0x1] =	stream.indirect_vreg.gather [hbm:s5], $0x80, v0, vm0, $0x38;
	[tilespmem:$0xC990] =	vst v63  }
0x43: {  	s21 =	sadd.s32 s21, s16;
	s22 =	sadd.s32 $0x400, s19  }
0x44: {  	[tilespmem:s22], [sflag:$0x1] =	stream.indirect_vreg.gather [hbm:s5], $0x80, v0, vm1, $0x38;
	[tilespmem:$0xC990] =	vst v63  }
0x45: {  	s20 =	sadd.s32 $0x40, s20;
	v0 =	vld.msk [tilespmem:s21+$0x0 ss:$0x1], $0xffff  }
0x46: {  	_ =	sdelay $0x3  }
0x47: {  	vm2 =	vgt.s32 v0, $0x0  }
0x48: {  	v0 =	vnsel vm2, $0x0, v0  }
0x49: {  	v0 =	vmin.u32 v0, $0x1387  }
0x4a: {  	v0 =	vshll.u32 v0, $0x4;
	_ =	sdelay $0x3  }
0x4b: {  	s16 =	sadd.s32 $0x800, s19  }
0x4c: {  	[tilespmem:s16], [sflag:$0x1] =	stream.indirect_vreg.gather [hbm:s5], $0x80, v0, vm0, $0x38;
	[tilespmem:$0xC990] =	vst v63  }
0x4d: {  	s16 =	sadd.s32 $0x400, s16  }
0x4e: {  	[tilespmem:s16], [sflag:$0x1] =	stream.indirect_vreg.gather [hbm:s5], $0x80, v0, vm1, $0x38;
	[tilespmem:$0xC990] =	vst v63  }
0x4f: {  	v0 =	vld.msk [tilespmem:s18+$0xC0 ss:$0x1], $0xff;
	_ =	sdelay $0x4  }
0x50: {  	vm2 =	vgt.s32 v0, $0x0  }
0x51: {  	v0 =	vnsel vm2, $0x0, v0  }
0x52: {  	v0 =	vmin.u32 v0, $0x1387  }
0x53: {  	v0 =	vshll.u32 v0, $0x4;
	_ =	sdelay $0x3  }
0x54: {  	s31 =	sadd.s32 $0x6190, s17  }
0x55: {  	[tilespmem:s31], [sflag:$0x1] =	stream.indirect_vreg.gather [hbm:s5], $0x80, v0, vm0, $0x38;
	[tilespmem:$0xC990] =	vst v63  }
0x56: {  	s13 =	sshll.u32 s13, $0x4;
	_ =	swait.ge [sflag:s6], $0x6400  }
0x57: {  	s13 =	sadd.s32 s13, s9;
	[sflag:s6] =	ssyncset.done $0x0  }
0x58: {  	s17 =	sadd.s32 $0x0, s13;
	s16 =	simm.s32 $0x80;
	[sflag:s6] =	ssyncadd.s32 $0xFFFF9C00  }
.LBB2_5:
0x59: {  	[hbm:s17] =	stream.linear.scatter [tilespmem:s14], [sflag:$0x3], $0x400, $0x38;
	[tilespmem:$0xC990] =	vst v63  }
0x5a: {  	s17 =	smov.u32 s16;
	s14 =	smov.u32 s15;
	p1 =	sne.s32 s16, $0xC00  }
.Ltmp4:
0x5b: {  	s16 =	sadd.s32 $0x80, s16;
	(pc) =	sbr.rel @p1 .LBB2_5-.Ltmp4, $2  }
0x5c: {  	_ =	sdelay $0x2  }
0x5d: {  	s15 =	sadd.s32 $0x400, s15;
	s17 =	sadd.s32 s17, s13  }
.Ltmp5:
0x5e: {  	_ = 	snop;
	(pc) =	sbr.rel .LBB2_6-.Ltmp5, $1  }
0x5f: {  	_ =	sdelay $0x3  }
.LBB2_8:
0x60: {  	_ =	sfence.sel $0x180000  }
0x61: {  	s1 =	simm.s32 $0x2;
	[bflag:$0x0] =	sbarrier.arrive $0xFFFF  }
0x62: {  	s30 =	simm.s32 $0x3;
	[sflag:s1] =	ssyncpa.u1 $0x1  }
0x63: {  	s31 =	simm.s32 $0x1;
	[sflag:s30] =	ssyncpa.u1 $0x1  }
0x64: {  	[sflag:s31] =	ssyncpa.u1 $0x1  }
0x65: {  	p0 =	sne.s32 s0, $0x0;
	_ =	strace $0x90000047  }
0x66: {  	s0 =	sadd.s32 @!p0 $0x100000, s2;
	[bflag:$0x2] =	sbarrier.arrive $0xFFFF  }
0x67: {  	[sflag:s0] =	ssyncadd.tile.s32 @!p0 $0x1;
	_ =	shalt  }
.Lfunc_end2:
_tile_overlayer_lowered:
.L_overlay_start_2:
0x68: {  	(tag) =	ssettag $0x2  }
0x69: {  	s0 =	rddreg [dreg:$0x0];
	s2 =	stileid.u32  }
0x6a: {  	s1 =	rddreg [dreg:$0x1];
	p0 =	sne.s32 s2, $0x0  }
0x6b: {  	s3 =	rddreg [dreg:$0x2];
	[bflag:$0x3] =	sbarrier.arrive $0xFFFF;
	s2 =	simm.s32 @!p0 $0x1C01  }
0x6c: {  	[timem:s3], [sflag:s2] =	dma.local @!p0 [hbm:s0], s1  }
0x6d: {  	s0 =	simm.s32 @!p0 $0x1  }
0x6e: {  	_ =	swait.ge @!p0 [sflag:s0], s1  }
0x6f: {  	s1 =	ssub.s32 @!p0 $0x0, s1;
	[sflag:s0] =	ssyncset.done @!p0 $0x0  }
0x70: {  	[sflag:s0] =	ssyncadd.s32 @!p0 s1  }
0x71: {  	[bflag:$0x3] =	sbarrier.arrive $0xFFFF  }
0x72: {  	_ =	shalt  }

</sc_bundles>
